<compile_context>
chip_gen: v7x
topology: tpu7x:2x2x1
jax: 0.10.2.dev20260603
libtpu: 0.0.44.dev20260713+nightly
codegen_flags: <defaults>
</compile_context>

<pallas_src>
import jax
import jax.numpy as jnp
from jax import lax
from jax.experimental import pallas as pl
from jax.experimental.pallas import tpu as pltpu
from jax.experimental.pallas import tpu_sc as plsc

N = 10000
E = 160000
D_IN = 256
D_HID = 512
D_OUT = 256

DH = 128
NP = 10240
NTILES = 16
EDGES_PER_TILE = 10240
EP = NTILES * EDGES_PER_TILE
BATCH = 128
GBATCH = 128
NBUF = 2
ROWS_PER_TILE = NP // NTILES

DEG_EDGES_PER_TILE = EP // 32
DEG_NBATCH = DEG_EDGES_PER_TILE // BATCH


def _agg_body(xcat, src2, dst2, neigh_out,
              srcv, dstv, rows0, rows1, acc, semg0, semg1):
    c = lax.axis_index("c")
    s = lax.axis_index("s")
    coff = c * N

    zeros16 = jnp.zeros((16,), jnp.float32)

    def fill_zero(r, _):
        for j in range(DH // 16):
            rows0[r, pl.ds(j * 16, 16)] = zeros16
        return 0

    lax.fori_loop(0, GBATCH, fill_zero, 0)

    rbase = s * ROWS_PER_TILE

    def zbody(j, _):
        pltpu.sync_copy(rows0, acc.at[pl.ds(rbase + j * GBATCH, GBATCH)])
        return 0

    lax.fori_loop(0, ROWS_PER_TILE // GBATCH, zbody, 0)

    plsc.subcore_barrier()

    HE = EDGES_PER_TILE // 2
    HB = HE // GBATCH

    bufs = [rows0, rows1]
    sems = [semg0, semg1]

    def gstart(b, j):
        pltpu.async_copy(xcat.at[srcv.at[pl.ds(b * GBATCH, GBATCH)]],
                         bufs[j], sems[j])

    def gwait(b, j):
        pltpu.make_async_copy(xcat.at[srcv.at[pl.ds(b * GBATCH, GBATCH)]],
                              bufs[j], sems[j]).wait()

    def scat(b, j):
        pltpu.sync_copy(bufs[j], acc.at[dstv.at[b]], add=True)

    for h in range(2):
        pltpu.sync_copy(src2.at[s, pl.ds(h * HE, HE)], srcv)
        pltpu.sync_copy(dst2.at[s, pl.ds(h * HB, HB)], dstv)

        def adj(i, _):
            srcv[pl.ds(i * 16, 16)] = srcv[pl.ds(i * 16, 16)] + coff
            return 0

        lax.fori_loop(0, HE // 16, adj, 0)

        gstart(0, 0)
        gstart(1, 1)

        def body2(i, _):
            for j in range(NBUF):
                b = NBUF * i + j
                gwait(b, j)

                @pl.when(b + 2 < HB)
                def _():
                    gstart(b + 2, j)

                scat(b, j)
            return 0

        lax.fori_loop(0, HB // NBUF, body2, 0)

    plsc.subcore_barrier()

    pltpu.sync_copy(acc.at[pl.ds(rbase, ROWS_PER_TILE)],
                    neigh_out.at[c, pl.ds(rbase, ROWS_PER_TILE)])


_agg = pl.kernel(
    _agg_body,
    mesh=plsc.VectorSubcoreMesh(core_axis_name="c", subcore_axis_name="s"),
    out_type=[
        jax.ShapeDtypeStruct((2, NP, DH), jnp.float32),
    ],
    scratch_types=[
        pltpu.VMEM((EDGES_PER_TILE // 2,), jnp.int32),
        pltpu.VMEM((EDGES_PER_TILE // 2 // GBATCH, GBATCH),
                   jnp.int32),
        pltpu.VMEM((GBATCH, DH), jnp.float32),
        pltpu.VMEM((GBATCH, DH), jnp.float32),
        pltpu.VMEM_SHARED((NP, DH), jnp.float32),
        pltpu.SemaphoreType.DMA,
        pltpu.SemaphoreType.DMA,
    ],
)


def _deg_body(dst3, deg_out, dstv, onesv, zdv, dacc, semd):
    c = lax.axis_index("c")
    s = lax.axis_index("s")

    zeros16 = jnp.zeros((16,), jnp.float32)
    ones16 = jnp.ones((16,), jnp.float32)

    def fill(r, _):
        for j in range(DH // 16):
            zdv[r, pl.ds(j * 16, 16)] = zeros16
        return 0

    lax.fori_loop(0, 16, fill, 0)

    def fill_ones(r, _):
        for j in range(DH // 16):
            onesv[r, pl.ds(j * 16, 16)] = ones16
        return 0

    lax.fori_loop(0, BATCH, fill_ones, 0)

    pltpu.sync_copy(dst3.at[c * NTILES + s], dstv)

    rbase = s * ROWS_PER_TILE

    def zbody(j, _):
        pltpu.sync_copy(zdv, dacc.at[pl.ds(rbase + j * 16, 16)])
        return 0

    lax.fori_loop(0, ROWS_PER_TILE // 16, zbody, 0)

    plsc.subcore_barrier()

    def body(g, _):
        b = g * 4
        for j in range(4):
            pltpu.async_copy(onesv, dacc.at[dstv.at[b + j]], semd, add=True)
        for j in range(4):
            pltpu.make_async_copy(onesv, dacc.at[dstv.at[b + j]],
                                  semd).wait()
        return 0

    lax.fori_loop(0, DEG_NBATCH // 4, body, 0)

    plsc.subcore_barrier()

    pltpu.sync_copy(dacc.at[pl.ds(rbase, ROWS_PER_TILE)],
                    deg_out.at[c, pl.ds(rbase, ROWS_PER_TILE)])


_deg = pl.kernel(
    _deg_body,
    mesh=plsc.VectorSubcoreMesh(core_axis_name="c", subcore_axis_name="s"),
    out_type=[
        jax.ShapeDtypeStruct((2, NP, DH), jnp.float32),
    ],
    scratch_types=[
        pltpu.VMEM((DEG_NBATCH, BATCH), jnp.int32),
        pltpu.VMEM((BATCH, DH), jnp.float32),
        pltpu.VMEM((16, DH), jnp.float32),
        pltpu.VMEM_SHARED((NP, DH), jnp.float32),
        pltpu.SemaphoreType.DMA,
    ],
)


BLK = 1000


def _mlp_body(xb, n2b, db, ws, bs, wn, bn, wo, bo, ob):
    xv = xb[...]
    h_self = jnp.dot(xv, ws[...], preferred_element_type=jnp.float32) + bs[...]
    n2 = n2b[...]
    nb = jnp.concatenate([n2[0], n2[1]], axis=-1)
    d2 = db[...]
    deg = jnp.maximum(d2[0][:, 0:1] + d2[1][:, 0:1], 1.0)
    h_neigh = jnp.dot(nb / deg, wn[...],
                      preferred_element_type=jnp.float32) + bn[...]
    h = jnp.maximum(h_self + h_neigh, 0.0)
    ob[...] = jnp.dot(h, wo[...], preferred_element_type=jnp.float32) + bo[...]


def _mlp(x, neigh2, deg2, ws_t, bs, wn_t, bn, wo_t, bo):
    grid = (N // BLK,)
    return pl.pallas_call(
        _mlp_body,
        grid=grid,
        in_specs=[
            pl.BlockSpec((BLK, D_IN), lambda i: (i, 0)),
            pl.BlockSpec((2, BLK, DH), lambda i: (0, i, 0)),
            pl.BlockSpec((2, BLK, DH), lambda i: (0, i, 0)),
            pl.BlockSpec((D_IN, D_HID), lambda i: (0, 0)),
            pl.BlockSpec((1, D_HID), lambda i: (0, 0)),
            pl.BlockSpec((D_IN, D_HID), lambda i: (0, 0)),
            pl.BlockSpec((1, D_HID), lambda i: (0, 0)),
            pl.BlockSpec((D_HID, D_OUT), lambda i: (0, 0)),
            pl.BlockSpec((1, D_OUT), lambda i: (0, 0)),
        ],
        out_specs=pl.BlockSpec((BLK, D_OUT), lambda i: (i, 0)),
        out_shape=jax.ShapeDtypeStruct((N, D_OUT), jnp.float32),
    )(x, neigh2, deg2, ws_t, bs, wn_t, bn, wo_t, bo)


def kernel(x, edge_index, W_self, b_self, W_neigh, b_neigh, W_out, b_out):
    xcat = jnp.concatenate([x[:, :DH], x[:, DH:]], axis=0)
    src = edge_index[0]
    dst = edge_index[1]
    pad = EP - E
    srcp = jnp.concatenate([src, jnp.zeros((pad,), jnp.int32)])
    dstp = jnp.concatenate([dst, jnp.full((pad,), N, jnp.int32)])
    src2 = srcp.reshape(NTILES, EDGES_PER_TILE)
    dst2 = dstp.reshape(NTILES, EDGES_PER_TILE // GBATCH, GBATCH)
    dst3 = dstp.reshape(2 * NTILES, DEG_NBATCH, BATCH)
    (neigh2,) = _agg(xcat, src2, dst2)
    (deg2,) = _deg(dst3)
    return _mlp(x, neigh2, deg2, W_self.T, b_self[None, :],
                W_neigh.T, b_neigh[None, :], W_out.T, b_out[None, :])

# --- scband reference (transcript-rebuilt; emitter-appended) ---
"""Pipeline reference for scband-dense-graph-sage-90632399880540 (READ-ONLY COPY).

The authoritative reference and input builder live on the scoring server;
editing this copy changes nothing except your own understanding.
"""

import jax, jax.numpy as jnp
import numpy as np

N = 10000
E = 160000
D_IN = 256
D_HID = 512
D_OUT = 256


def setup_inputs(seed: int = 0) -> dict:
    key = jax.random.key(seed)
    ks = jax.random.split(key, 8)
    x = jax.random.normal(ks[0], (N, D_IN), dtype=jnp.float32)
    edge_index = jax.random.randint(ks[1], (2, E), 0, N, dtype=jnp.int32)
    s_in = 1.0 / np.sqrt(D_IN)
    s_hid = 1.0 / np.sqrt(D_HID)
    W_self = jax.random.uniform(ks[2], (D_HID, D_IN), jnp.float32, -s_in, s_in)
    b_self = jax.random.uniform(ks[3], (D_HID,), jnp.float32, -s_in, s_in)
    W_neigh = jax.random.uniform(ks[4], (D_HID, D_IN), jnp.float32, -s_in, s_in)
    b_neigh = jax.random.uniform(ks[5], (D_HID,), jnp.float32, -s_in, s_in)
    W_out = jax.random.uniform(ks[6], (D_OUT, D_HID), jnp.float32, -s_hid, s_hid)
    b_out = jax.random.uniform(ks[7], (D_OUT,), jnp.float32, -s_hid, s_hid)
    return {"x": x, "edge_index": edge_index, "W_self": W_self, "b_self": b_self,
            "W_neigh": W_neigh, "b_neigh": b_neigh, "W_out": W_out, "b_out": b_out}


def reference(x, edge_index, W_self, b_self, W_neigh, b_neigh, W_out, b_out):
    # block: full graph, num_dst_nodes == N, so x[:num_dst] == x
    src = edge_index[0]
    dst = edge_index[1]
    # h_self = fc_self(x[:num_dst])
    h_self = x @ W_self.T + b_self
    # update_all(copy_u('h','m'), sum('m','neigh')) -> scatter-add of src features onto dst
    msgs = jnp.take(x, src, axis=0)
    neigh = jax.ops.segment_sum(msgs, dst, num_segments=N)
    # in_degrees().clamp(min=1)
    deg = jax.ops.segment_sum(jnp.ones((E,), jnp.float32), dst, num_segments=N)
    deg = jnp.clip(deg, 1.0, None)
    h_neigh = (neigh / deg[:, None]) @ W_neigh.T + b_neigh
    h = jax.nn.relu(h_self + h_neigh)
    # dropout is identity in eval / p=0.0
    return h @ W_out.T + b_out

if __name__ == "__main__":
    import jax
    _d = setup_inputs()
    print(jax.jit(kernel)(*tuple(_d.values())))

</pallas_src>

<mosaic_0001>
#map = affine_map<(d0, d1) -> (0, 0)>
#map1 = affine_map<(d0, d1) -> (0, 0, 0)>
module attributes {stable_mosaic.version = 14 : i64} {
  func.func @_agg_body(%arg0: i32, %arg1: i32, %arg2: memref<20000x128xf32, #tpu.memory_space<hbm>>, %arg3: memref<16x10240xi32, #tpu.memory_space<hbm>>, %arg4: memref<16x80x128xi32, #tpu.memory_space<hbm>>, %arg5: memref<2x10240x128xf32, #tpu.memory_space<hbm>>, %arg6: memref<5120xi32, #tpu.memory_space<vmem>>, %arg7: memref<40x128xi32, #tpu.memory_space<vmem>>, %arg8: memref<128x128xf32, #tpu.memory_space<vmem>>, %arg9: memref<128x128xf32, #tpu.memory_space<vmem>>, %arg10: memref<10240x128xf32, #tpu.memory_space<vmem_shared>>, %arg11: memref<!tpu.dma_semaphore, #tpu.memory_space<semaphore_mem>>, %arg12: memref<!tpu.dma_semaphore, #tpu.memory_space<semaphore_mem>>) attributes {dimension_semantics = [#tpu.dimension_semantics<core_parallel>, #tpu.dimension_semantics<subcore_parallel>], iteration_bounds = array<i64: 2, 16>, scalar_prefetch = 0 : i64, scratch_operands = 7 : i64, tpu.core_type = #tpu.core_type<sc_vector_subcore>, window_params = [{transform_indices = #map}, {transform_indices = #map}, {transform_indices = #map1}, {transform_indices = #map1}]} {
    %mul3A = arith.constant 10000 : i32
    %mul3A_0 = arith.muli %arg0, %mul3A : i32
    %broadcast_in_dim3A = arith.constant 0.000000e+00 : f32
    %broadcast_in_dim3A_1 = vector.broadcast %broadcast_in_dim3A : f32 to vector<16xf32>
    %scan3A = arith.constant 0 : i32
    %scan3A_2 = arith.constant 0 : i32
    %scan3A_3 = arith.constant 128 : i32
    %scan3A_4 = arith.addi %scan3A_2, %scan3A_3 : i32
    %scan3A_5 = arith.constant 1 : i32
    %scan3A_6 = scf.for %scan3A_65 = %scan3A_2 to %scan3A_4 step %scan3A_5 iter_args(%scan3A_66 = %scan3A) -> (i32)  : i32 {
      %swap3A = arith.index_cast %scan3A_65 : i32 to index
      %swap3A_67 = arith.constant 0 : index
      %swap3A_68 = tpu.vector_load %arg8[%swap3A, %swap3A_67] {strides = array<i32>} : memref<128x128xf32, #tpu.memory_space<vmem>>, vector<1x16xf32>,
      %swap3A_69 = vector.shape_cast %swap3A_68 : vector<1x16xf32> to vector<16xf32>
      %swap3A_70 = vector.shape_cast %broadcast_in_dim3A_1 : vector<16xf32> to vector<1x16xf32>
      tpu.vector_store %arg8[%swap3A, %swap3A_67], %swap3A_70 {strides = array<i32>} : memref<128x128xf32, #tpu.memory_space<vmem>>, vector<1x16xf32>,
      %swap3A_71 = arith.index_cast %scan3A_65 : i32 to index
      %swap3A_72 = arith.constant 16 : index
      %swap3A_73 = tpu.vector_load %arg8[%swap3A_71, %swap3A_72] {strides = array<i32>} : memref<128x128xf32, #tpu.memory_space<vmem>>, vector<1x16xf32>,
      %swap3A_74 = vector.shape_cast %swap3A_73 : vector<1x16xf32> to vector<16xf32>
      %swap3A_75 = vector.shape_cast %broadcast_in_dim3A_1 : vector<16xf32> to vector<1x16xf32>
      tpu.vector_store %arg8[%swap3A_71, %swap3A_72], %swap3A_75 {strides = array<i32>} : memref<128x128xf32, #tpu.memory_space<vmem>>, vector<1x16xf32>,
      %swap3A_76 = arith.index_cast %scan3A_65 : i32 to index
      %swap3A_77 = arith.constant 32 : index
      %swap3A_78 = tpu.vector_load %arg8[%swap3A_76, %swap3A_77] {strides = array<i32>} : memref<128x128xf32, #tpu.memory_space<vmem>>, vector<1x16xf32>,
      %swap3A_79 = vector.shape_cast %swap3A_78 : vector<1x16xf32> to vector<16xf32>
      %swap3A_80 = vector.shape_cast %broadcast_in_dim3A_1 : vector<16xf32> to vector<1x16xf32>
      tpu.vector_store %arg8[%swap3A_76, %swap3A_77], %swap3A_80 {strides = array<i32>} : memref<128x128xf32, #tpu.memory_space<vmem>>, vector<1x16xf32>,
      %swap3A_81 = arith.index_cast %scan3A_65 : i32 to index
      %swap3A_82 = arith.constant 48 : index
      %swap3A_83 = tpu.vector_load %arg8[%swap3A_81, %swap3A_82] {strides = array<i32>} : memref<128x128xf32, #tpu.memory_space<vmem>>, vector<1x16xf32>,
      %swap3A_84 = vector.shape_cast %swap3A_83 : vector<1x16xf32> to vector<16xf32>
      %swap3A_85 = vector.shape_cast %broadcast_in_dim3A_1 : vector<16xf32> to vector<1x16xf32>
      tpu.vector_store %arg8[%swap3A_81, %swap3A_82], %swap3A_85 {strides = array<i32>} : memref<128x128xf32, #tpu.memory_space<vmem>>, vector<1x16xf32>,
      %swap3A_86 = arith.index_cast %scan3A_65 : i32 to index
      %swap3A_87 = arith.constant 64 : index
      %swap3A_88 = tpu.vector_load %arg8[%swap3A_86, %swap3A_87] {strides = array<i32>} : memref<128x128xf32, #tpu.memory_space<vmem>>, vector<1x16xf32>,
      %swap3A_89 = vector.shape_cast %swap3A_88 : vector<1x16xf32> to vector<16xf32>
      %swap3A_90 = vector.shape_cast %broadcast_in_dim3A_1 : vector<16xf32> to vector<1x16xf32>
      tpu.vector_store %arg8[%swap3A_86, %swap3A_87], %swap3A_90 {strides = array<i32>} : memref<128x128xf32, #tpu.memory_space<vmem>>, vector<1x16xf32>,
      %swap3A_91 = arith.index_cast %scan3A_65 : i32 to index
      %swap3A_92 = arith.constant 80 : index
      %swap3A_93 = tpu.vector_load %arg8[%swap3A_91, %swap3A_92] {strides = array<i32>} : memref<128x128xf32, #tpu.memory_space<vmem>>, vector<1x16xf32>,
      %swap3A_94 = vector.shape_cast %swap3A_93 : vector<1x16xf32> to vector<16xf32>
      %swap3A_95 = vector.shape_cast %broadcast_in_dim3A_1 : vector<16xf32> to vector<1x16xf32>
      tpu.vector_store %arg8[%swap3A_91, %swap3A_92], %swap3A_95 {strides = array<i32>} : memref<128x128xf32, #tpu.memory_space<vmem>>, vector<1x16xf32>,
      %swap3A_96 = arith.index_cast %scan3A_65 : i32 to index
      %swap3A_97 = arith.constant 96 : index
      %swap3A_98 = tpu.vector_load %arg8[%swap3A_96, %swap3A_97] {strides = array<i32>} : memref<128x128xf32, #tpu.memory_space<vmem>>, vector<1x16xf32>,
      %swap3A_99 = vector.shape_cast %swap3A_98 : vector<1x16xf32> to vector<16xf32>
      %swap3A_100 = vector.shape_cast %broadcast_in_dim3A_1 : vector<16xf32> to vector<1x16xf32>
      tpu.vector_store %arg8[%swap3A_96, %swap3A_97], %swap3A_100 {strides = array<i32>} : memref<128x128xf32, #tpu.memory_space<vmem>>, vector<1x16xf32>,
      %swap3A_101 = arith.index_cast %scan3A_65 : i32 to index
      %swap3A_102 = arith.constant 112 : index
      %swap3A_103 = tpu.vector_load %arg8[%swap3A_101, %swap3A_102] {strides = array<i32>} : memref<128x128xf32, #tpu.memory_space<vmem>>, vector<1x16xf32>,
      %swap3A_104 = vector.shape_cast %swap3A_103 : vector<1x16xf32> to vector<16xf32>
      %swap3A_105 = vector.shape_cast %broadcast_in_dim3A_1 : vector<16xf32> to vector<1x16xf32>
      tpu.vector_store %arg8[%swap3A_101, %swap3A_102], %swap3A_105 {strides = array<i32>} : memref<128x128xf32, #tpu.memory_space<vmem>>, vector<1x16xf32>,
      %scan3A_106 = arith.constant 0 : i32
      scf.yield %scan3A_106 : i32
    }
    %scan3A_7 = arith.constant 128 : i32
    %mul3A_8 = arith.constant 640 : i32
    %mul3A_9 = arith.muli %arg1, %mul3A_8 : i32
    %scan3A_10 = arith.constant 0 : i32
    %scan3A_11 = arith.constant 0 : i32
    %scan3A_12 = arith.constant 5 : i32
    %scan3A_13 = arith.addi %scan3A_11, %scan3A_12 : i32
    %scan3A_14 = arith.constant 1 : i32
    %scan3A_15 = scf.for %scan3A_65 = %scan3A_11 to %scan3A_13 step %scan3A_14 iter_args(%scan3A_66 = %scan3A_10) -> (i32)  : i32 {
      %mul3A_67 = arith.constant 128 : i32
      %mul3A_68 = arith.muli %scan3A_65, %mul3A_67 : i32
      %add3A = arith.addi %mul3A_9, %mul3A_68 : i32
      "tpu.region"() ({
        %run_scoped3A = tpu.sem_alloc : memref<!tpu.dma_semaphore, #tpu.memory_space<semaphore_mem>>
        %dma_start3A_70 = arith.constant 0 : i32
        %dma_start3A_71 = tpu.memref_slice %arg10[%add3A, %dma_start3A_70] : memref<10240x128xf32, #tpu.memory_space<vmem_shared>> -> memref<128x128xf32, #tpu.memory_space<vmem_shared>>
        %dma_start3A_72 = arith.constant 0 : i32
        %dma_start3A_73 = tpu.memref_slice %arg10[%add3A, %dma_start3A_72] : memref<10240x128xf32, #tpu.memory_space<vmem_shared>> -> memref<128x128xf32, #tpu.memory_space<vmem_shared>>
        tpu.enqueue_dma source(%arg8 : memref<128x128xf32, #tpu.memory_space<vmem>>) target(%dma_start3A_73 : memref<128x128xf32, #tpu.memory_space<vmem_shared>>) target_semaphore(%run_scoped3A : memref<!tpu.dma_semaphore, #tpu.memory_space<semaphore_mem>>)
        %dma_wait3A = arith.constant 0 : i32
        %dma_wait3A_74 = tpu.memref_slice %arg10[%add3A, %dma_wait3A] : memref<10240x128xf32, #tpu.memory_space<vmem_shared>> -> memref<128x128xf32, #tpu.memory_space<vmem_shared>>
        %dma_wait3A_75 = arith.constant 0 : i32
        %dma_wait3A_76 = tpu.memref_slice %arg10[%add3A, %dma_wait3A_75] : memref<10240x128xf32, #tpu.memory_space<vmem_shared>> -> memref<128x128xf32, #tpu.memory_space<vmem_shared>>
        tpu.wait_dma2 semaphore(%run_scoped3A : memref<!tpu.dma_semaphore, #tpu.memory_space<semaphore_mem>>) src(%arg8 : memref<128x128xf32, #tpu.memory_space<vmem>>) dst(%dma_wait3A_76 : memref<128x128xf32, #tpu.memory_space<vmem_shared>>)
        tpu.yield
      }) : () -> ()
      %scan3A_69 = arith.constant 0 : i32
      scf.yield %scan3A_69 : i32
    }
    %scan3A_16 = arith.constant 5 : i32
    %barrier3A = arith.constant 0 : index
    tpu.barrier barrier_id(%barrier3A)
    "tpu.region"() ({
      %run_scoped3A = tpu.sem_alloc : memref<!tpu.dma_semaphore, #tpu.memory_space<semaphore_mem>>
      %dma_start3A_65 = arith.constant 0 : i32
      %dma_start3A_66 = tpu.memref_slice %arg3[%arg1, %dma_start3A_65] : memref<16x10240xi32, #tpu.memory_space<hbm>> -> memref<1x5120xi32, #tpu.memory_space<hbm>>
      %dma_start3A_67 = tpu.memref_squeeze %dma_start3A_66 : memref<1x5120xi32, #tpu.memory_space<hbm>> -> memref<5120xi32, #tpu.memory_space<hbm>>
      %dma_start3A_68 = arith.constant 0 : i32
      %dma_start3A_69 = tpu.memref_slice %arg3[%arg1, %dma_start3A_68] : memref<16x10240xi32, #tpu.memory_space<hbm>> -> memref<1x5120xi32, #tpu.memory_space<hbm>>
      %dma_start3A_70 = tpu.memref_squeeze %dma_start3A_69 : memref<1x5120xi32, #tpu.memory_space<hbm>> -> memref<5120xi32, #tpu.memory_space<hbm>>
      tpu.enqueue_dma source(%dma_start3A_70 : memref<5120xi32, #tpu.memory_space<hbm>>) target(%arg6 : memref<5120xi32, #tpu.memory_space<vmem>>) target_semaphore(%run_scoped3A : memref<!tpu.dma_semaphore, #tpu.memory_space<semaphore_mem>>)
      %dma_wait3A = arith.constant 0 : i32
      %dma_wait3A_71 = tpu.memref_slice %arg3[%arg1, %dma_wait3A] : memref<16x10240xi32, #tpu.memory_space<hbm>> -> memref<1x5120xi32, #tpu.memory_space<hbm>>
      %dma_wait3A_72 = tpu.memref_squeeze %dma_wait3A_71 : memref<1x5120xi32, #tpu.memory_space<hbm>> -> memref<5120xi32, #tpu.memory_space<hbm>>
      %dma_wait3A_73 = arith.constant 0 : i32
      %dma_wait3A_74 = tpu.memref_slice %arg3[%arg1, %dma_wait3A_73] : memref<16x10240xi32, #tpu.memory_space<hbm>> -> memref<1x5120xi32, #tpu.memory_space<hbm>>
      %dma_wait3A_75 = tpu.memref_squeeze %dma_wait3A_74 : memref<1x5120xi32, #tpu.memory_space<hbm>> -> memref<5120xi32, #tpu.memory_space<hbm>>
      tpu.wait_dma2 semaphore(%run_scoped3A : memref<!tpu.dma_semaphore, #tpu.memory_space<semaphore_mem>>) src(%dma_wait3A_75 : memref<5120xi32, #tpu.memory_space<hbm>>) dst(%arg6 : memref<5120xi32, #tpu.memory_space<vmem>>)
      tpu.yield
    }) : () -> ()
    "tpu.region"() ({
      %run_scoped3A = tpu.sem_alloc : memref<!tpu.dma_semaphore, #tpu.memory_space<semaphore_mem>>
      %dma_start3A_65 = arith.constant 0 : i32
      %dma_start3A_66 = arith.constant 0 : i32
      %dma_start3A_67 = tpu.memref_slice %arg4[%arg1, %dma_start3A_65, %dma_start3A_66] : memref<16x80x128xi32, #tpu.memory_space<hbm>> -> memref<1x40x128xi32, #tpu.memory_space<hbm>>
      %dma_start3A_68 = tpu.memref_squeeze %dma_start3A_67 : memref<1x40x128xi32, #tpu.memory_space<hbm>> -> memref<40x128xi32, #tpu.memory_space<hbm>>
      %dma_start3A_69 = arith.constant 0 : i32
      %dma_start3A_70 = arith.constant 0 : i32
      %dma_start3A_71 = tpu.memref_slice %arg4[%arg1, %dma_start3A_69, %dma_start3A_70] : memref<16x80x128xi32, #tpu.memory_space<hbm>> -> memref<1x40x128xi32, #tpu.memory_space<hbm>>
      %dma_start3A_72 = tpu.memref_squeeze %dma_start3A_71 : memref<1x40x128xi32, #tpu.memory_space<hbm>> -> memref<40x128xi32, #tpu.memory_space<hbm>>
      tpu.enqueue_dma source(%dma_start3A_72 : memref<40x128xi32, #tpu.memory_space<hbm>>) target(%arg7 : memref<40x128xi32, #tpu.memory_space<vmem>>) target_semaphore(%run_scoped3A : memref<!tpu.dma_semaphore, #tpu.memory_space<semaphore_mem>>)
      %dma_wait3A = arith.constant 0 : i32
      %dma_wait3A_73 = arith.constant 0 : i32
      %dma_wait3A_74 = tpu.memref_slice %arg4[%arg1, %dma_wait3A, %dma_wait3A_73] : memref<16x80x128xi32, #tpu.memory_space<hbm>> -> memref<1x40x128xi32, #tpu.memory_space<hbm>>
      %dma_wait3A_75 = tpu.memref_squeeze %dma_wait3A_74 : memref<1x40x128xi32, #tpu.memory_space<hbm>> -> memref<40x128xi32, #tpu.memory_space<hbm>>
      %dma_wait3A_76 = arith.constant 0 : i32
      %dma_wait3A_77 = arith.constant 0 : i32
      %dma_wait3A_78 = tpu.memref_slice %arg4[%arg1, %dma_wait3A_76, %dma_wait3A_77] : memref<16x80x128xi32, #tpu.memory_space<hbm>> -> memref<1x40x128xi32, #tpu.memory_space<hbm>>
      %dma_wait3A_79 = tpu.memref_squeeze %dma_wait3A_78 : memref<1x40x128xi32, #tpu.memory_space<hbm>> -> memref<40x128xi32, #tpu.memory_space<hbm>>
      tpu.wait_dma2 semaphore(%run_scoped3A : memref<!tpu.dma_semaphore, #tpu.memory_space<semaphore_mem>>) src(%dma_wait3A_79 : memref<40x128xi32, #tpu.memory_space<hbm>>) dst(%arg7 : memref<40x128xi32, #tpu.memory_space<vmem>>)
      tpu.yield
    }) : () -> ()
    %scan3A_17 = arith.constant 0 : i32
    %scan3A_18 = arith.constant 0 : i32
    %scan3A_19 = arith.constant 320 : i32
    %scan3A_20 = arith.addi %scan3A_18, %scan3A_19 : i32
    %scan3A_21 = arith.constant 1 : i32
    %scan3A_22 = scf.for %scan3A_65 = %scan3A_18 to %scan3A_20 step %scan3A_21 iter_args(%scan3A_66 = %scan3A_17) -> (i32)  : i32 {
      %mul3A_67 = arith.constant 16 : i32
      %mul3A_68 = arith.muli %scan3A_65, %mul3A_67 : i32
      %get3A = arith.index_cast %mul3A_68 : i32 to index
      %get3A_69 = tpu.vector_load %arg6[%get3A] {strides = array<i32>} : memref<5120xi32, #tpu.memory_space<vmem>>, vector<16xi32>,
      %get3A_70 = vector.shape_cast %get3A_69 : vector<16xi32> to vector<16xi32>
      %add3A = vector.broadcast %mul3A_0 : i32 to vector<16xi32>
      %add3A_71 = arith.addi %get3A_70, %add3A : vector<16xi32>
      %mul3A_72 = arith.constant 16 : i32
      %mul3A_73 = arith.muli %scan3A_65, %mul3A_72 : i32
      %swap3A = arith.index_cast %mul3A_73 : i32 to index
      %swap3A_74 = tpu.vector_load %arg6[%swap3A] {strides = array<i32>} : memref<5120xi32, #tpu.memory_space<vmem>>, vector<16xi32>,
      %swap3A_75 = vector.shape_cast %swap3A_74 : vector<16xi32> to vector<16xi32>
      %swap3A_76 = vector.shape_cast %add3A_71 : vector<16xi32> to vector<16xi32>
      tpu.vector_store %arg6[%swap3A], %swap3A_76 {strides = array<i32>} : memref<5120xi32, #tpu.memory_space<vmem>>, vector<16xi32>,
      %scan3A_77 = arith.constant 0 : i32
      scf.yield %scan3A_77 : i32
    }
    %scan3A_23 = arith.constant 320 : i32
    %dma_start3A = arith.constant 0 : i32
    %dma_start3A_24 = tpu.memref_slice %arg6[%dma_start3A] : memref<5120xi32, #tpu.memory_space<vmem>> -> memref<128xi32, #tpu.memory_space<vmem>>
    %dma_start3A_25 = arith.constant 0 : i32
    %dma_start3A_26 = arith.constant 0 : i32
    %dma_start3A_27 = tpu.memref_slice %arg2[%dma_start3A_25, %dma_start3A_26] : memref<20000x128xf32, #tpu.memory_space<hbm>> -> memref<20000x128xf32, #tpu.memory_space<hbm>>
    tpu.enqueue_indirect_dma source(%dma_start3A_27 : memref<20000x128xf32, #tpu.memory_space<hbm>>) target(%arg8 : memref<128x128xf32, #tpu.memory_space<vmem>>) offsets(%dma_start3A_24 : memref<128xi32, #tpu.memory_space<vmem>>) semaphore(%arg11 : memref<!tpu.dma_semaphore, #tpu.memory_space<semaphore_mem>>)
    %dma_start3A_28 = arith.constant 128 : i32
    %dma_start3A_29 = tpu.memref_slice %arg6[%dma_start3A_28] : memref<5120xi32, #tpu.memory_space<vmem>> -> memref<128xi32, #tpu.memory_space<vmem>>
    %dma_start3A_30 = arith.constant 0 : i32
    %dma_start3A_31 = arith.constant 0 : i32
    %dma_start3A_32 = tpu.memref_slice %arg2[%dma_start3A_30, %dma_start3A_31] : memref<20000x128xf32, #tpu.memory_space<hbm>> -> memref<20000x128xf32, #tpu.memory_space<hbm>>
    tpu.enqueue_indirect_dma source(%dma_start3A_32 : memref<20000x128xf32, #tpu.memory_space<hbm>>) target(%arg9 : memref<128x128xf32, #tpu.memory_space<vmem>>) offsets(%dma_start3A_29 : memref<128xi32, #tpu.memory_space<vmem>>) semaphore(%arg12 : memref<!tpu.dma_semaphore, #tpu.memory_space<semaphore_mem>>)
    %scan3A_33 = arith.constant 0 : i32
    %scan3A_34 = arith.constant 0 : i32
    %scan3A_35 = arith.constant 20 : i32
    %scan3A_36 = arith.addi %scan3A_34, %scan3A_35 : i32
    %scan3A_37 = arith.constant 1 : i32
    %scan3A_38 = scf.for %scan3A_65 = %scan3A_34 to %scan3A_36 step %scan3A_37 iter_args(%scan3A_66 = %scan3A_33) -> (i32)  : i32 {
      %mul3A_67 = arith.constant 2 : i32
      %mul3A_68 = arith.muli %mul3A_67, %scan3A_65 : i32
      %add3A = arith.constant 0 : i32
      %add3A_69 = arith.addi %mul3A_68, %add3A : i32
      %mul3A_70 = arith.constant 128 : i32
      %mul3A_71 = arith.muli %add3A_69, %mul3A_70 : i32
      %dma_wait3A = tpu.memref_slice %arg6[%mul3A_71] : memref<5120xi32, #tpu.memory_space<vmem>> -> memref<128xi32, #tpu.memory_space<vmem>>
      %dma_wait3A_72 = arith.constant 0 : i32
      %dma_wait3A_73 = arith.constant 0 : i32
      %dma_wait3A_74 = tpu.memref_slice %arg2[%dma_wait3A_72, %dma_wait3A_73] : memref<20000x128xf32, #tpu.memory_space<hbm>> -> memref<20000x128xf32, #tpu.memory_space<hbm>>
      tpu.wait_indirect_dma semaphore(%arg11 : memref<!tpu.dma_semaphore, #tpu.memory_space<semaphore_mem>>) src(%dma_wait3A_74 : memref<20000x128xf32, #tpu.memory_space<hbm>>) dst(%arg8 : memref<128x128xf32, #tpu.memory_space<vmem>>)
      %add3A_75 = arith.constant 2 : i32
      %add3A_76 = arith.addi %add3A_69, %add3A_75 : i32
      %lt3A = arith.constant 40 : i32
      %lt3A_77 = arith.cmpi slt, %add3A_76, %lt3A : i32
      %convert_element_type3A = arith.extui %lt3A_77 : i1 to i32
      %cond3A = arith.constant 0 : i32
      %cond3A_78 = arith.cmpi ne, %convert_element_type3A, %cond3A : i32
      scf.if %cond3A_78 {
        %add3A_97 = arith.constant 2 : i32
        %add3A_98 = arith.addi %add3A_69, %add3A_97 : i32
        %mul3A_99 = arith.constant 128 : i32
        %mul3A_100 = arith.muli %add3A_98, %mul3A_99 : i32
        %dma_start3A_101 = tpu.memref_slice %arg6[%mul3A_100] : memref<5120xi32, #tpu.memory_space<vmem>> -> memref<128xi32, #tpu.memory_space<vmem>>
        %dma_start3A_102 = arith.constant 0 : i32
        %dma_start3A_103 = arith.constant 0 : i32
        %dma_start3A_104 = tpu.memref_slice %arg2[%dma_start3A_102, %dma_start3A_103] : memref<20000x128xf32, #tpu.memory_space<hbm>> -> memref<20000x128xf32, #tpu.memory_space<hbm>>
        tpu.enqueue_indirect_dma source(%dma_start3A_104 : memref<20000x128xf32, #tpu.memory_space<hbm>>) target(%arg8 : memref<128x128xf32, #tpu.memory_space<vmem>>) offsets(%dma_start3A_101 : memref<128xi32, #tpu.memory_space<vmem>>) semaphore(%arg11 : memref<!tpu.dma_semaphore, #tpu.memory_space<semaphore_mem>>)
      } else {
      }
      "tpu.region"() ({
        %run_scoped3A = tpu.sem_alloc : memref<!tpu.dma_semaphore, #tpu.memory_space<semaphore_mem>>
        %dma_start3A_97 = arith.constant 0 : i32
        %dma_start3A_98 = tpu.memref_slice %arg7[%add3A_69, %dma_start3A_97] : memref<40x128xi32, #tpu.memory_space<vmem>> -> memref<1x128xi32, #tpu.memory_space<vmem>>
        %dma_start3A_99 = tpu.memref_squeeze %dma_start3A_98 : memref<1x128xi32, #tpu.memory_space<vmem>> -> memref<128xi32, #tpu.memory_space<vmem>>
        %dma_start3A_100 = arith.constant 0 : i32
        %dma_start3A_101 = arith.constant 0 : i32
        %dma_start3A_102 = tpu.memref_slice %arg10[%dma_start3A_100, %dma_start3A_101] : memref<10240x128xf32, #tpu.memory_space<vmem_shared>> -> memref<10240x128xf32, #tpu.memory_space<vmem_shared>>
        tpu.enqueue_indirect_dma source(%arg8 : memref<128x128xf32, #tpu.memory_space<vmem>>) target(%dma_start3A_102 : memref<10240x128xf32, #tpu.memory_space<vmem_shared>>) offsets(%dma_start3A_99 : memref<128xi32, #tpu.memory_space<vmem>>) semaphore(%run_scoped3A : memref<!tpu.dma_semaphore, #tpu.memory_space<semaphore_mem>>) {add = true}
        %dma_wait3A_103 = arith.constant 0 : i32
        %dma_wait3A_104 = tpu.memref_slice %arg7[%add3A_69, %dma_wait3A_103] : memref<40x128xi32, #tpu.memory_space<vmem>> -> memref<1x128xi32, #tpu.memory_space<vmem>>
        %dma_wait3A_105 = tpu.memref_squeeze %dma_wait3A_104 : memref<1x128xi32, #tpu.memory_space<vmem>> -> memref<128xi32, #tpu.memory_space<vmem>>
        %dma_wait3A_106 = arith.constant 0 : i32
        %dma_wait3A_107 = arith.constant 0 : i32
        %dma_wait3A_108 = tpu.memref_slice %arg10[%dma_wait3A_106, %dma_wait3A_107] : memref<10240x128xf32, #tpu.memory_space<vmem_shared>> -> memref<10240x128xf32, #tpu.memory_space<vmem_shared>>
        tpu.wait_indirect_dma semaphore(%run_scoped3A : memref<!tpu.dma_semaphore, #tpu.memory_space<semaphore_mem>>) src(%arg8 : memref<128x128xf32, #tpu.memory_space<vmem>>) dst(%dma_wait3A_108 : memref<10240x128xf32, #tpu.memory_space<vmem_shared>>)
        tpu.yield
      }) : () -> ()
      %mul3A_79 = arith.constant 2 : i32
      %mul3A_80 = arith.muli %mul3A_79, %scan3A_65 : i32
      %add3A_81 = arith.constant 1 : i32
      %add3A_82 = arith.addi %mul3A_80, %add3A_81 : i32
      %mul3A_83 = arith.constant 128 : i32
      %mul3A_84 = arith.muli %add3A_82, %mul3A_83 : i32
      %dma_wait3A_85 = tpu.memref_slice %arg6[%mul3A_84] : memref<5120xi32, #tpu.memory_space<vmem>> -> memref<128xi32, #tpu.memory_space<vmem>>
      %dma_wait3A_86 = arith.constant 0 : i32
      %dma_wait3A_87 = arith.constant 0 : i32
      %dma_wait3A_88 = tpu.memref_slice %arg2[%dma_wait3A_86, %dma_wait3A_87] : memref<20000x128xf32, #tpu.memory_space<hbm>> -> memref<20000x128xf32, #tpu.memory_space<hbm>>
      tpu.wait_indirect_dma semaphore(%arg12 : memref<!tpu.dma_semaphore, #tpu.memory_space<semaphore_mem>>) src(%dma_wait3A_88 : memref<20000x128xf32, #tpu.memory_space<hbm>>) dst(%arg9 : memref<128x128xf32, #tpu.memory_space<vmem>>)
      %add3A_89 = arith.constant 2 : i32
      %add3A_90 = arith.addi %add3A_82, %add3A_89 : i32
      %lt3A_91 = arith.constant 40 : i32
      %lt3A_92 = arith.cmpi slt, %add3A_90, %lt3A_91 : i32
      %convert_element_type3A_93 = arith.extui %lt3A_92 : i1 to i32
      %cond3A_94 = arith.constant 0 : i32
      %cond3A_95 = arith.cmpi ne, %convert_element_type3A_93, %cond3A_94 : i32
      scf.if %cond3A_95 {
        %add3A_97 = arith.constant 2 : i32
        %add3A_98 = arith.addi %add3A_82, %add3A_97 : i32
        %mul3A_99 = arith.constant 128 : i32
        %mul3A_100 = arith.muli %add3A_98, %mul3A_99 : i32
        %dma_start3A_101 = tpu.memref_slice %arg6[%mul3A_100] : memref<5120xi32, #tpu.memory_space<vmem>> -> memref<128xi32, #tpu.memory_space<vmem>>
        %dma_start3A_102 = arith.constant 0 : i32
        %dma_start3A_103 = arith.constant 0 : i32
        %dma_start3A_104 = tpu.memref_slice %arg2[%dma_start3A_102, %dma_start3A_103] : memref<20000x128xf32, #tpu.memory_space<hbm>> -> memref<20000x128xf32, #tpu.memory_space<hbm>>
        tpu.enqueue_indirect_dma source(%dma_start3A_104 : memref<20000x128xf32, #tpu.memory_space<hbm>>) target(%arg9 : memref<128x128xf32, #tpu.memory_space<vmem>>) offsets(%dma_start3A_101 : memref<128xi32, #tpu.memory_space<vmem>>) semaphore(%arg12 : memref<!tpu.dma_semaphore, #tpu.memory_space<semaphore_mem>>)
      } else {
      }
      "tpu.region"() ({
        %run_scoped3A = tpu.sem_alloc : memref<!tpu.dma_semaphore, #tpu.memory_space<semaphore_mem>>
        %dma_start3A_97 = arith.constant 0 : i32
        %dma_start3A_98 = tpu.memref_slice %arg7[%add3A_82, %dma_start3A_97] : memref<40x128xi32, #tpu.memory_space<vmem>> -> memref<1x128xi32, #tpu.memory_space<vmem>>
        %dma_start3A_99 = tpu.memref_squeeze %dma_start3A_98 : memref<1x128xi32, #tpu.memory_space<vmem>> -> memref<128xi32, #tpu.memory_space<vmem>>
        %dma_start3A_100 = arith.constant 0 : i32
        %dma_start3A_101 = arith.constant 0 : i32
        %dma_start3A_102 = tpu.memref_slice %arg10[%dma_start3A_100, %dma_start3A_101] : memref<10240x128xf32, #tpu.memory_space<vmem_shared>> -> memref<10240x128xf32, #tpu.memory_space<vmem_shared>>
        tpu.enqueue_indirect_dma source(%arg9 : memref<128x128xf32, #tpu.memory_space<vmem>>) target(%dma_start3A_102 : memref<10240x128xf32, #tpu.memory_space<vmem_shared>>) offsets(%dma_start3A_99 : memref<128xi32, #tpu.memory_space<vmem>>) semaphore(%run_scoped3A : memref<!tpu.dma_semaphore, #tpu.memory_space<semaphore_mem>>) {add = true}
        %dma_wait3A_103 = arith.constant 0 : i32
        %dma_wait3A_104 = tpu.memref_slice %arg7[%add3A_82, %dma_wait3A_103] : memref<40x128xi32, #tpu.memory_space<vmem>> -> memref<1x128xi32, #tpu.memory_space<vmem>>
        %dma_wait3A_105 = tpu.memref_squeeze %dma_wait3A_104 : memref<1x128xi32, #tpu.memory_space<vmem>> -> memref<128xi32, #tpu.memory_space<vmem>>
        %dma_wait3A_106 = arith.constant 0 : i32
        %dma_wait3A_107 = arith.constant 0 : i32
        %dma_wait3A_108 = tpu.memref_slice %arg10[%dma_wait3A_106, %dma_wait3A_107] : memref<10240x128xf32, #tpu.memory_space<vmem_shared>> -> memref<10240x128xf32, #tpu.memory_space<vmem_shared>>
        tpu.wait_indirect_dma semaphore(%run_scoped3A : memref<!tpu.dma_semaphore, #tpu.memory_space<semaphore_mem>>) src(%arg9 : memref<128x128xf32, #tpu.memory_space<vmem>>) dst(%dma_wait3A_108 : memref<10240x128xf32, #tpu.memory_space<vmem_shared>>)
        tpu.yield
      }) : () -> ()
      %scan3A_96 = arith.constant 0 : i32
      scf.yield %scan3A_96 : i32
    }
    %scan3A_39 = arith.constant 20 : i32
    "tpu.region"() ({
      %run_scoped3A = tpu.sem_alloc : memref<!tpu.dma_semaphore, #tpu.memory_space<semaphore_mem>>
      %dma_start3A_65 = arith.constant 5120 : i32
      %dma_start3A_66 = tpu.memref_slice %arg3[%arg1, %dma_start3A_65] : memref<16x10240xi32, #tpu.memory_space<hbm>> -> memref<1x5120xi32, #tpu.memory_space<hbm>>
      %dma_start3A_67 = tpu.memref_squeeze %dma_start3A_66 : memref<1x5120xi32, #tpu.memory_space<hbm>> -> memref<5120xi32, #tpu.memory_space<hbm>>
      %dma_start3A_68 = arith.constant 5120 : i32
      %dma_start3A_69 = tpu.memref_slice %arg3[%arg1, %dma_start3A_68] : memref<16x10240xi32, #tpu.memory_space<hbm>> -> memref<1x5120xi32, #tpu.memory_space<hbm>>
      %dma_start3A_70 = tpu.memref_squeeze %dma_start3A_69 : memref<1x5120xi32, #tpu.memory_space<hbm>> -> memref<5120xi32, #tpu.memory_space<hbm>>
      tpu.enqueue_dma source(%dma_start3A_70 : memref<5120xi32, #tpu.memory_space<hbm>>) target(%arg6 : memref<5120xi32, #tpu.memory_space<vmem>>) target_semaphore(%run_scoped3A : memref<!tpu.dma_semaphore, #tpu.memory_space<semaphore_mem>>)
      %dma_wait3A = arith.constant 5120 : i32
      %dma_wait3A_71 = tpu.memref_slice %arg3[%arg1, %dma_wait3A] : memref<16x10240xi32, #tpu.memory_space<hbm>> -> memref<1x5120xi32, #tpu.memory_space<hbm>>
      %dma_wait3A_72 = tpu.memref_squeeze %dma_wait3A_71 : memref<1x5120xi32, #tpu.memory_space<hbm>> -> memref<5120xi32, #tpu.memory_space<hbm>>
      %dma_wait3A_73 = arith.constant 5120 : i32
      %dma_wait3A_74 = tpu.memref_slice %arg3[%arg1, %dma_wait3A_73] : memref<16x10240xi32, #tpu.memory_space<hbm>> -> memref<1x5120xi32, #tpu.memory_space<hbm>>
      %dma_wait3A_75 = tpu.memref_squeeze %dma_wait3A_74 : memref<1x5120xi32, #tpu.memory_space<hbm>> -> memref<5120xi32, #tpu.memory_space<hbm>>
      tpu.wait_dma2 semaphore(%run_scoped3A : memref<!tpu.dma_semaphore, #tpu.memory_space<semaphore_mem>>) src(%dma_wait3A_75 : memref<5120xi32, #tpu.memory_space<hbm>>) dst(%arg6 : memref<5120xi32, #tpu.memory_space<vmem>>)
      tpu.yield
    }) : () -> ()
    "tpu.region"() ({
      %run_scoped3A = tpu.sem_alloc : memref<!tpu.dma_semaphore, #tpu.memory_space<semaphore_mem>>
      %dma_start3A_65 = arith.constant 40 : i32
      %dma_start3A_66 = arith.constant 0 : i32
      %dma_start3A_67 = tpu.memref_slice %arg4[%arg1, %dma_start3A_65, %dma_start3A_66] : memref<16x80x128xi32, #tpu.memory_space<hbm>> -> memref<1x40x128xi32, #tpu.memory_space<hbm>>
      %dma_start3A_68 = tpu.memref_squeeze %dma_start3A_67 : memref<1x40x128xi32, #tpu.memory_space<hbm>> -> memref<40x128xi32, #tpu.memory_space<hbm>>
      %dma_start3A_69 = arith.constant 40 : i32
      %dma_start3A_70 = arith.constant 0 : i32
      %dma_start3A_71 = tpu.memref_slice %arg4[%arg1, %dma_start3A_69, %dma_start3A_70] : memref<16x80x128xi32, #tpu.memory_space<hbm>> -> memref<1x40x128xi32, #tpu.memory_space<hbm>>
      %dma_start3A_72 = tpu.memref_squeeze %dma_start3A_71 : memref<1x40x128xi32, #tpu.memory_space<hbm>> -> memref<40x128xi32, #tpu.memory_space<hbm>>
      tpu.enqueue_dma source(%dma_start3A_72 : memref<40x128xi32, #tpu.memory_space<hbm>>) target(%arg7 : memref<40x128xi32, #tpu.memory_space<vmem>>) target_semaphore(%run_scoped3A : memref<!tpu.dma_semaphore, #tpu.memory_space<semaphore_mem>>)
      %dma_wait3A = arith.constant 40 : i32
      %dma_wait3A_73 = arith.constant 0 : i32
      %dma_wait3A_74 = tpu.memref_slice %arg4[%arg1, %dma_wait3A, %dma_wait3A_73] : memref<16x80x128xi32, #tpu.memory_space<hbm>> -> memref<1x40x128xi32, #tpu.memory_space<hbm>>
      %dma_wait3A_75 = tpu.memref_squeeze %dma_wait3A_74 : memref<1x40x128xi32, #tpu.memory_space<hbm>> -> memref<40x128xi32, #tpu.memory_space<hbm>>
      %dma_wait3A_76 = arith.constant 40 : i32
      %dma_wait3A_77 = arith.constant 0 : i32
      %dma_wait3A_78 = tpu.memref_slice %arg4[%arg1, %dma_wait3A_76, %dma_wait3A_77] : memref<16x80x128xi32, #tpu.memory_space<hbm>> -> memref<1x40x128xi32, #tpu.memory_space<hbm>>
      %dma_wait3A_79 = tpu.memref_squeeze %dma_wait3A_78 : memref<1x40x128xi32, #tpu.memory_space<hbm>> -> memref<40x128xi32, #tpu.memory_space<hbm>>
      tpu.wait_dma2 semaphore(%run_scoped3A : memref<!tpu.dma_semaphore, #tpu.memory_space<semaphore_mem>>) src(%dma_wait3A_79 : memref<40x128xi32, #tpu.memory_space<hbm>>) dst(%arg7 : memref<40x128xi32, #tpu.memory_space<vmem>>)
      tpu.yield
    }) : () -> ()
    %scan3A_40 = arith.constant 0 : i32
    %scan3A_41 = arith.constant 0 : i32
    %scan3A_42 = arith.constant 320 : i32
    %scan3A_43 = arith.addi %scan3A_41, %scan3A_42 : i32
    %scan3A_44 = arith.constant 1 : i32
    %scan3A_45 = scf.for %scan3A_65 = %scan3A_41 to %scan3A_43 step %scan3A_44 iter_args(%scan3A_66 = %scan3A_40) -> (i32)  : i32 {
      %mul3A_67 = arith.constant 16 : i32
      %mul3A_68 = arith.muli %scan3A_65, %mul3A_67 : i32
      %get3A = arith.index_cast %mul3A_68 : i32 to index
      %get3A_69 = tpu.vector_load %arg6[%get3A] {strides = array<i32>} : memref<5120xi32, #tpu.memory_space<vmem>>, vector<16xi32>,
      %get3A_70 = vector.shape_cast %get3A_69 : vector<16xi32> to vector<16xi32>
      %add3A = vector.broadcast %mul3A_0 : i32 to vector<16xi32>
      %add3A_71 = arith.addi %get3A_70, %add3A : vector<16xi32>
      %mul3A_72 = arith.constant 16 : i32
      %mul3A_73 = arith.muli %scan3A_65, %mul3A_72 : i32
      %swap3A = arith.index_cast %mul3A_73 : i32 to index
      %swap3A_74 = tpu.vector_load %arg6[%swap3A] {strides = array<i32>} : memref<5120xi32, #tpu.memory_space<vmem>>, vector<16xi32>,
      %swap3A_75 = vector.shape_cast %swap3A_74 : vector<16xi32> to vector<16xi32>
      %swap3A_76 = vector.shape_cast %add3A_71 : vector<16xi32> to vector<16xi32>
      tpu.vector_store %arg6[%swap3A], %swap3A_76 {strides = array<i32>} : memref<5120xi32, #tpu.memory_space<vmem>>, vector<16xi32>,
      %scan3A_77 = arith.constant 0 : i32
      scf.yield %scan3A_77 : i32
    }
    %scan3A_46 = arith.constant 320 : i32
    %dma_start3A_47 = arith.constant 0 : i32
    %dma_start3A_48 = tpu.memref_slice %arg6[%dma_start3A_47] : memref<5120xi32, #tpu.memory_space<vmem>> -> memref<128xi32, #tpu.memory_space<vmem>>
    %dma_start3A_49 = arith.constant 0 : i32
    %dma_start3A_50 = arith.constant 0 : i32
    %dma_start3A_51 = tpu.memref_slice %arg2[%dma_start3A_49, %dma_start3A_50] : memref<20000x128xf32, #tpu.memory_space<hbm>> -> memref<20000x128xf32, #tpu.memory_space<hbm>>
    tpu.enqueue_indirect_dma source(%dma_start3A_51 : memref<20000x128xf32, #tpu.memory_space<hbm>>) target(%arg8 : memref<128x128xf32, #tpu.memory_space<vmem>>) offsets(%dma_start3A_48 : memref<128xi32, #tpu.memory_space<vmem>>) semaphore(%arg11 : memref<!tpu.dma_semaphore, #tpu.memory_space<semaphore_mem>>)
    %dma_start3A_52 = arith.constant 128 : i32
    %dma_start3A_53 = tpu.memref_slice %arg6[%dma_start3A_52] : memref<5120xi32, #tpu.memory_space<vmem>> -> memref<128xi32, #tpu.memory_space<vmem>>
    %dma_start3A_54 = arith.constant 0 : i32
    %dma_start3A_55 = arith.constant 0 : i32
    %dma_start3A_56 = tpu.memref_slice %arg2[%dma_start3A_54, %dma_start3A_55] : memref<20000x128xf32, #tpu.memory_space<hbm>> -> memref<20000x128xf32, #tpu.memory_space<hbm>>
    tpu.enqueue_indirect_dma source(%dma_start3A_56 : memref<20000x128xf32, #tpu.memory_space<hbm>>) target(%arg9 : memref<128x128xf32, #tpu.memory_space<vmem>>) offsets(%dma_start3A_53 : memref<128xi32, #tpu.memory_space<vmem>>) semaphore(%arg12 : memref<!tpu.dma_semaphore, #tpu.memory_space<semaphore_mem>>)
    %scan3A_57 = arith.constant 0 : i32
    %scan3A_58 = arith.constant 0 : i32
    %scan3A_59 = arith.constant 20 : i32
    %scan3A_60 = arith.addi %scan3A_58, %scan3A_59 : i32
    %scan3A_61 = arith.constant 1 : i32
    %scan3A_62 = scf.for %scan3A_65 = %scan3A_58 to %scan3A_60 step %scan3A_61 iter_args(%scan3A_66 = %scan3A_57) -> (i32)  : i32 {
      %mul3A_67 = arith.constant 2 : i32
      %mul3A_68 = arith.muli %mul3A_67, %scan3A_65 : i32
      %add3A = arith.constant 0 : i32
      %add3A_69 = arith.addi %mul3A_68, %add3A : i32
      %mul3A_70 = arith.constant 128 : i32
      %mul3A_71 = arith.muli %add3A_69, %mul3A_70 : i32
      %dma_wait3A = tpu.memref_slice %arg6[%mul3A_71] : memref<5120xi32, #tpu.memory_space<vmem>> -> memref<128xi32, #tpu.memory_space<vmem>>
      %dma_wait3A_72 = arith.constant 0 : i32
      %dma_wait3A_73 = arith.constant 0 : i32
      %dma_wait3A_74 = tpu.memref_slice %arg2[%dma_wait3A_72, %dma_wait3A_73] : memref<20000x128xf32, #tpu.memory_space<hbm>> -> memref<20000x128xf32, #tpu.memory_space<hbm>>
      tpu.wait_indirect_dma semaphore(%arg11 : memref<!tpu.dma_semaphore, #tpu.memory_space<semaphore_mem>>) src(%dma_wait3A_74 : memref<20000x128xf32, #tpu.memory_space<hbm>>) dst(%arg8 : memref<128x128xf32, #tpu.memory_space<vmem>>)
      %add3A_75 = arith.constant 2 : i32
      %add3A_76 = arith.addi %add3A_69, %add3A_75 : i32
      %lt3A = arith.constant 40 : i32
      %lt3A_77 = arith.cmpi slt, %add3A_76, %lt3A : i32
      %convert_element_type3A = arith.extui %lt3A_77 : i1 to i32
      %cond3A = arith.constant 0 : i32
      %cond3A_78 = arith.cmpi ne, %convert_element_type3A, %cond3A : i32
      scf.if %cond3A_78 {
        %add3A_97 = arith.constant 2 : i32
        %add3A_98 = arith.addi %add3A_69, %add3A_97 : i32
        %mul3A_99 = arith.constant 128 : i32
        %mul3A_100 = arith.muli %add3A_98, %mul3A_99 : i32
        %dma_start3A_101 = tpu.memref_slice %arg6[%mul3A_100] : memref<5120xi32, #tpu.memory_space<vmem>> -> memref<128xi32, #tpu.memory_space<vmem>>
        %dma_start3A_102 = arith.constant 0 : i32
        %dma_start3A_103 = arith.constant 0 : i32
        %dma_start3A_104 = tpu.memref_slice %arg2[%dma_start3A_102, %dma_start3A_103] : memref<20000x128xf32, #tpu.memory_space<hbm>> -> memref<20000x128xf32, #tpu.memory_space<hbm>>
        tpu.enqueue_indirect_dma source(%dma_start3A_104 : memref<20000x128xf32, #tpu.memory_space<hbm>>) target(%arg8 : memref<128x128xf32, #tpu.memory_space<vmem>>) offsets(%dma_start3A_101 : memref<128xi32, #tpu.memory_space<vmem>>) semaphore(%arg11 : memref<!tpu.dma_semaphore, #tpu.memory_space<semaphore_mem>>)
      } else {
      }
      "tpu.region"() ({
        %run_scoped3A = tpu.sem_alloc : memref<!tpu.dma_semaphore, #tpu.memory_space<semaphore_mem>>
        %dma_start3A_97 = arith.constant 0 : i32
        %dma_start3A_98 = tpu.memref_slice %arg7[%add3A_69, %dma_start3A_97] : memref<40x128xi32, #tpu.memory_space<vmem>> -> memref<1x128xi32, #tpu.memory_space<vmem>>
        %dma_start3A_99 = tpu.memref_squeeze %dma_start3A_98 : memref<1x128xi32, #tpu.memory_space<vmem>> -> memref<128xi32, #tpu.memory_space<vmem>>
        %dma_start3A_100 = arith.constant 0 : i32
        %dma_start3A_101 = arith.constant 0 : i32
        %dma_start3A_102 = tpu.memref_slice %arg10[%dma_start3A_100, %dma_start3A_101] : memref<10240x128xf32, #tpu.memory_space<vmem_shared>> -> memref<10240x128xf32, #tpu.memory_space<vmem_shared>>
        tpu.enqueue_indirect_dma source(%arg8 : memref<128x128xf32, #tpu.memory_space<vmem>>) target(%dma_start3A_102 : memref<10240x128xf32, #tpu.memory_space<vmem_shared>>) offsets(%dma_start3A_99 : memref<128xi32, #tpu.memory_space<vmem>>) semaphore(%run_scoped3A : memref<!tpu.dma_semaphore, #tpu.memory_space<semaphore_mem>>) {add = true}
        %dma_wait3A_103 = arith.constant 0 : i32
        %dma_wait3A_104 = tpu.memref_slice %arg7[%add3A_69, %dma_wait3A_103] : memref<40x128xi32, #tpu.memory_space<vmem>> -> memref<1x128xi32, #tpu.memory_space<vmem>>
        %dma_wait3A_105 = tpu.memref_squeeze %dma_wait3A_104 : memref<1x128xi32, #tpu.memory_space<vmem>> -> memref<128xi32, #tpu.memory_space<vmem>>
        %dma_wait3A_106 = arith.constant 0 : i32
        %dma_wait3A_107 = arith.constant 0 : i32
        %dma_wait3A_108 = tpu.memref_slice %arg10[%dma_wait3A_106, %dma_wait3A_107] : memref<10240x128xf32, #tpu.memory_space<vmem_shared>> -> memref<10240x128xf32, #tpu.memory_space<vmem_shared>>
        tpu.wait_indirect_dma semaphore(%run_scoped3A : memref<!tpu.dma_semaphore, #tpu.memory_space<semaphore_mem>>) src(%arg8 : memref<128x128xf32, #tpu.memory_space<vmem>>) dst(%dma_wait3A_108 : memref<10240x128xf32, #tpu.memory_space<vmem_shared>>)
        tpu.yield
      }) : () -> ()
      %mul3A_79 = arith.constant 2 : i32
      %mul3A_80 = arith.muli %mul3A_79, %scan3A_65 : i32
      %add3A_81 = arith.constant 1 : i32
      %add3A_82 = arith.addi %mul3A_80, %add3A_81 : i32
      %mul3A_83 = arith.constant 128 : i32
      %mul3A_84 = arith.muli %add3A_82, %mul3A_83 : i32
      %dma_wait3A_85 = tpu.memref_slice %arg6[%mul3A_84] : memref<5120xi32, #tpu.memory_space<vmem>> -> memref<128xi32, #tpu.memory_space<vmem>>
      %dma_wait3A_86 = arith.constant 0 : i32
      %dma_wait3A_87 = arith.constant 0 : i32
      %dma_wait3A_88 = tpu.memref_slice %arg2[%dma_wait3A_86, %dma_wait3A_87] : memref<20000x128xf32, #tpu.memory_space<hbm>> -> memref<20000x128xf32, #tpu.memory_space<hbm>>
      tpu.wait_indirect_dma semaphore(%arg12 : memref<!tpu.dma_semaphore, #tpu.memory_space<semaphore_mem>>) src(%dma_wait3A_88 : memref<20000x128xf32, #tpu.memory_space<hbm>>) dst(%arg9 : memref<128x128xf32, #tpu.memory_space<vmem>>)
      %add3A_89 = arith.constant 2 : i32
      %add3A_90 = arith.addi %add3A_82, %add3A_89 : i32
      %lt3A_91 = arith.constant 40 : i32
      %lt3A_92 = arith.cmpi slt, %add3A_90, %lt3A_91 : i32
      %convert_element_type3A_93 = arith.extui %lt3A_92 : i1 to i32
      %cond3A_94 = arith.constant 0 : i32
      %cond3A_95 = arith.cmpi ne, %convert_element_type3A_93, %cond3A_94 : i32
      scf.if %cond3A_95 {
        %add3A_97 = arith.constant 2 : i32
        %add3A_98 = arith.addi %add3A_82, %add3A_97 : i32
        %mul3A_99 = arith.constant 128 : i32
        %mul3A_100 = arith.muli %add3A_98, %mul3A_99 : i32
        %dma_start3A_101 = tpu.memref_slice %arg6[%mul3A_100] : memref<5120xi32, #tpu.memory_space<vmem>> -> memref<128xi32, #tpu.memory_space<vmem>>
        %dma_start3A_102 = arith.constant 0 : i32
        %dma_start3A_103 = arith.constant 0 : i32
        %dma_start3A_104 = tpu.memref_slice %arg2[%dma_start3A_102, %dma_start3A_103] : memref<20000x128xf32, #tpu.memory_space<hbm>> -> memref<20000x128xf32, #tpu.memory_space<hbm>>
        tpu.enqueue_indirect_dma source(%dma_start3A_104 : memref<20000x128xf32, #tpu.memory_space<hbm>>) target(%arg9 : memref<128x128xf32, #tpu.memory_space<vmem>>) offsets(%dma_start3A_101 : memref<128xi32, #tpu.memory_space<vmem>>) semaphore(%arg12 : memref<!tpu.dma_semaphore, #tpu.memory_space<semaphore_mem>>)
      } else {
      }
      "tpu.region"() ({
        %run_scoped3A = tpu.sem_alloc : memref<!tpu.dma_semaphore, #tpu.memory_space<semaphore_mem>>
        %dma_start3A_97 = arith.constant 0 : i32
        %dma_start3A_98 = tpu.memref_slice %arg7[%add3A_82, %dma_start3A_97] : memref<40x128xi32, #tpu.memory_space<vmem>> -> memref<1x128xi32, #tpu.memory_space<vmem>>
        %dma_start3A_99 = tpu.memref_squeeze %dma_start3A_98 : memref<1x128xi32, #tpu.memory_space<vmem>> -> memref<128xi32, #tpu.memory_space<vmem>>
        %dma_start3A_100 = arith.constant 0 : i32
        %dma_start3A_101 = arith.constant 0 : i32
        %dma_start3A_102 = tpu.memref_slice %arg10[%dma_start3A_100, %dma_start3A_101] : memref<10240x128xf32, #tpu.memory_space<vmem_shared>> -> memref<10240x128xf32, #tpu.memory_space<vmem_shared>>
        tpu.enqueue_indirect_dma source(%arg9 : memref<128x128xf32, #tpu.memory_space<vmem>>) target(%dma_start3A_102 : memref<10240x128xf32, #tpu.memory_space<vmem_shared>>) offsets(%dma_start3A_99 : memref<128xi32, #tpu.memory_space<vmem>>) semaphore(%run_scoped3A : memref<!tpu.dma_semaphore, #tpu.memory_space<semaphore_mem>>) {add = true}
        %dma_wait3A_103 = arith.constant 0 : i32
        %dma_wait3A_104 = tpu.memref_slice %arg7[%add3A_82, %dma_wait3A_103] : memref<40x128xi32, #tpu.memory_space<vmem>> -> memref<1x128xi32, #tpu.memory_space<vmem>>
        %dma_wait3A_105 = tpu.memref_squeeze %dma_wait3A_104 : memref<1x128xi32, #tpu.memory_space<vmem>> -> memref<128xi32, #tpu.memory_space<vmem>>
        %dma_wait3A_106 = arith.constant 0 : i32
        %dma_wait3A_107 = arith.constant 0 : i32
        %dma_wait3A_108 = tpu.memref_slice %arg10[%dma_wait3A_106, %dma_wait3A_107] : memref<10240x128xf32, #tpu.memory_space<vmem_shared>> -> memref<10240x128xf32, #tpu.memory_space<vmem_shared>>
        tpu.wait_indirect_dma semaphore(%run_scoped3A : memref<!tpu.dma_semaphore, #tpu.memory_space<semaphore_mem>>) src(%arg9 : memref<128x128xf32, #tpu.memory_space<vmem>>) dst(%dma_wait3A_108 : memref<10240x128xf32, #tpu.memory_space<vmem_shared>>)
        tpu.yield
      }) : () -> ()
      %scan3A_96 = arith.constant 0 : i32
      scf.yield %scan3A_96 : i32
    }
    %scan3A_63 = arith.constant 20 : i32
    %barrier3A_64 = arith.constant 0 : index
    tpu.barrier barrier_id(%barrier3A_64)
    "tpu.region"() ({
      %run_scoped3A = tpu.sem_alloc : memref<!tpu.dma_semaphore, #tpu.memory_space<semaphore_mem>>
      %dma_start3A_65 = arith.constant 0 : i32
      %dma_start3A_66 = tpu.memref_slice %arg5[%arg0, %mul3A_9, %dma_start3A_65] : memref<2x10240x128xf32, #tpu.memory_space<hbm>> -> memref<1x640x128xf32, #tpu.memory_space<hbm>>
      %dma_start3A_67 = tpu.memref_squeeze %dma_start3A_66 : memref<1x640x128xf32, #tpu.memory_space<hbm>> -> memref<640x128xf32, #tpu.memory_space<hbm>>
      %dma_start3A_68 = arith.constant 0 : i32
      %dma_start3A_69 = tpu.memref_slice %arg10[%mul3A_9, %dma_start3A_68] : memref<10240x128xf32, #tpu.memory_space<vmem_shared>> -> memref<640x128xf32, #tpu.memory_space<vmem_shared>>
      tpu.enqueue_dma source(%dma_start3A_69 : memref<640x128xf32, #tpu.memory_space<vmem_shared>>) target(%dma_start3A_67 : memref<640x128xf32, #tpu.memory_space<hbm>>) target_semaphore(%run_scoped3A : memref<!tpu.dma_semaphore, #tpu.memory_space<semaphore_mem>>)
      %dma_wait3A = arith.constant 0 : i32
      %dma_wait3A_70 = tpu.memref_slice %arg5[%arg0, %mul3A_9, %dma_wait3A] : memref<2x10240x128xf32, #tpu.memory_space<hbm>> -> memref<1x640x128xf32, #tpu.memory_space<hbm>>
      %dma_wait3A_71 = tpu.memref_squeeze %dma_wait3A_70 : memref<1x640x128xf32, #tpu.memory_space<hbm>> -> memref<640x128xf32, #tpu.memory_space<hbm>>
      %dma_wait3A_72 = arith.constant 0 : i32
      %dma_wait3A_73 = tpu.memref_slice %arg10[%mul3A_9, %dma_wait3A_72] : memref<10240x128xf32, #tpu.memory_space<vmem_shared>> -> memref<640x128xf32, #tpu.memory_space<vmem_shared>>
      tpu.wait_dma2 semaphore(%run_scoped3A : memref<!tpu.dma_semaphore, #tpu.memory_space<semaphore_mem>>) src(%dma_wait3A_73 : memref<640x128xf32, #tpu.memory_space<vmem_shared>>) dst(%dma_wait3A_71 : memref<640x128xf32, #tpu.memory_space<hbm>>)
      tpu.yield
    }) : () -> ()
    return
  }
}

#map = affine_map<(d0, d1) -> (0, 0, 0)>
module attributes {stable_mosaic.version = 14 : i64} {
  func.func @_deg_body(%arg0: i32, %arg1: i32, %arg2: memref<32x40x128xi32, #tpu.memory_space<hbm>>, %arg3: memref<2x10240x128xf32, #tpu.memory_space<hbm>>, %arg4: memref<40x128xi32, #tpu.memory_space<vmem>>, %arg5: memref<128x128xf32, #tpu.memory_space<vmem>>, %arg6: memref<16x128xf32, #tpu.memory_space<vmem>>, %arg7: memref<10240x128xf32, #tpu.memory_space<vmem_shared>>, %arg8: memref<!tpu.dma_semaphore, #tpu.memory_space<semaphore_mem>>) attributes {dimension_semantics = [#tpu.dimension_semantics<core_parallel>, #tpu.dimension_semantics<subcore_parallel>], iteration_bounds = array<i64: 2, 16>, scalar_prefetch = 0 : i64, scratch_operands = 5 : i64, tpu.core_type = #tpu.core_type<sc_vector_subcore>, window_params = [{transform_indices = #map}, {transform_indices = #map}]} {
    %broadcast_in_dim3A = arith.constant 0.000000e+00 : f32
    %broadcast_in_dim3A_0 = vector.broadcast %broadcast_in_dim3A : f32 to vector<16xf32>
    %broadcast_in_dim3A_1 = arith.constant 1.000000e+00 : f32
    %broadcast_in_dim3A_2 = vector.broadcast %broadcast_in_dim3A_1 : f32 to vector<16xf32>
    %scan3A = arith.constant 0 : i32
    %scan3A_3 = arith.constant 0 : i32
    %scan3A_4 = arith.constant 16 : i32
    %scan3A_5 = arith.addi %scan3A_3, %scan3A_4 : i32
    %scan3A_6 = arith.constant 1 : i32
    %scan3A_7 = scf.for %scan3A_34 = %scan3A_3 to %scan3A_5 step %scan3A_6 iter_args(%scan3A_35 = %scan3A) -> (i32)  : i32 {
      %swap3A = arith.index_cast %scan3A_34 : i32 to index
      %swap3A_36 = arith.constant 0 : index
      %swap3A_37 = tpu.vector_load %arg6[%swap3A, %swap3A_36] {strides = array<i32>} : memref<16x128xf32, #tpu.memory_space<vmem>>, vector<1x16xf32>,
      %swap3A_38 = vector.shape_cast %swap3A_37 : vector<1x16xf32> to vector<16xf32>
      %swap3A_39 = vector.shape_cast %broadcast_in_dim3A_0 : vector<16xf32> to vector<1x16xf32>
      tpu.vector_store %arg6[%swap3A, %swap3A_36], %swap3A_39 {strides = array<i32>} : memref<16x128xf32, #tpu.memory_space<vmem>>, vector<1x16xf32>,
      %swap3A_40 = arith.index_cast %scan3A_34 : i32 to index
      %swap3A_41 = arith.constant 16 : index
      %swap3A_42 = tpu.vector_load %arg6[%swap3A_40, %swap3A_41] {strides = array<i32>} : memref<16x128xf32, #tpu.memory_space<vmem>>, vector<1x16xf32>,
      %swap3A_43 = vector.shape_cast %swap3A_42 : vector<1x16xf32> to vector<16xf32>
      %swap3A_44 = vector.shape_cast %broadcast_in_dim3A_0 : vector<16xf32> to vector<1x16xf32>
      tpu.vector_store %arg6[%swap3A_40, %swap3A_41], %swap3A_44 {strides = array<i32>} : memref<16x128xf32, #tpu.memory_space<vmem>>, vector<1x16xf32>,
      %swap3A_45 = arith.index_cast %scan3A_34 : i32 to index
      %swap3A_46 = arith.constant 32 : index
      %swap3A_47 = tpu.vector_load %arg6[%swap3A_45, %swap3A_46] {strides = array<i32>} : memref<16x128xf32, #tpu.memory_space<vmem>>, vector<1x16xf32>,
      %swap3A_48 = vector.shape_cast %swap3A_47 : vector<1x16xf32> to vector<16xf32>
      %swap3A_49 = vector.shape_cast %broadcast_in_dim3A_0 : vector<16xf32> to vector<1x16xf32>
      tpu.vector_store %arg6[%swap3A_45, %swap3A_46], %swap3A_49 {strides = array<i32>} : memref<16x128xf32, #tpu.memory_space<vmem>>, vector<1x16xf32>,
      %swap3A_50 = arith.index_cast %scan3A_34 : i32 to index
      %swap3A_51 = arith.constant 48 : index
      %swap3A_52 = tpu.vector_load %arg6[%swap3A_50, %swap3A_51] {strides = array<i32>} : memref<16x128xf32, #tpu.memory_space<vmem>>, vector<1x16xf32>,
      %swap3A_53 = vector.shape_cast %swap3A_52 : vector<1x16xf32> to vector<16xf32>
      %swap3A_54 = vector.shape_cast %broadcast_in_dim3A_0 : vector<16xf32> to vector<1x16xf32>
      tpu.vector_store %arg6[%swap3A_50, %swap3A_51], %swap3A_54 {strides = array<i32>} : memref<16x128xf32, #tpu.memory_space<vmem>>, vector<1x16xf32>,
      %swap3A_55 = arith.index_cast %scan3A_34 : i32 to index
      %swap3A_56 = arith.constant 64 : index
      %swap3A_57 = tpu.vector_load %arg6[%swap3A_55, %swap3A_56] {strides = array<i32>} : memref<16x128xf32, #tpu.memory_space<vmem>>, vector<1x16xf32>,
      %swap3A_58 = vector.shape_cast %swap3A_57 : vector<1x16xf32> to vector<16xf32>
      %swap3A_59 = vector.shape_cast %broadcast_in_dim3A_0 : vector<16xf32> to vector<1x16xf32>
      tpu.vector_store %arg6[%swap3A_55, %swap3A_56], %swap3A_59 {strides = array<i32>} : memref<16x128xf32, #tpu.memory_space<vmem>>, vector<1x16xf32>,
      %swap3A_60 = arith.index_cast %scan3A_34 : i32 to index
      %swap3A_61 = arith.constant 80 : index
      %swap3A_62 = tpu.vector_load %arg6[%swap3A_60, %swap3A_61] {strides = array<i32>} : memref<16x128xf32, #tpu.memory_space<vmem>>, vector<1x16xf32>,
      %swap3A_63 = vector.shape_cast %swap3A_62 : vector<1x16xf32> to vector<16xf32>
      %swap3A_64 = vector.shape_cast %broadcast_in_dim3A_0 : vector<16xf32> to vector<1x16xf32>
      tpu.vector_store %arg6[%swap3A_60, %swap3A_61], %swap3A_64 {strides = array<i32>} : memref<16x128xf32, #tpu.memory_space<vmem>>, vector<1x16xf32>,
      %swap3A_65 = arith.index_cast %scan3A_34 : i32 to index
      %swap3A_66 = arith.constant 96 : index
      %swap3A_67 = tpu.vector_load %arg6[%swap3A_65, %swap3A_66] {strides = array<i32>} : memref<16x128xf32, #tpu.memory_space<vmem>>, vector<1x16xf32>,
      %swap3A_68 = vector.shape_cast %swap3A_67 : vector<1x16xf32> to vector<16xf32>
      %swap3A_69 = vector.shape_cast %broadcast_in_dim3A_0 : vector<16xf32> to vector<1x16xf32>
      tpu.vector_store %arg6[%swap3A_65, %swap3A_66], %swap3A_69 {strides = array<i32>} : memref<16x128xf32, #tpu.memory_space<vmem>>, vector<1x16xf32>,
      %swap3A_70 = arith.index_cast %scan3A_34 : i32 to index
      %swap3A_71 = arith.constant 112 : index
      %swap3A_72 = tpu.vector_load %arg6[%swap3A_70, %swap3A_71] {strides = array<i32>} : memref<16x128xf32, #tpu.memory_space<vmem>>, vector<1x16xf32>,
      %swap3A_73 = vector.shape_cast %swap3A_72 : vector<1x16xf32> to vector<16xf32>
      %swap3A_74 = vector.shape_cast %broadcast_in_dim3A_0 : vector<16xf32> to vector<1x16xf32>
      tpu.vector_store %arg6[%swap3A_70, %swap3A_71], %swap3A_74 {strides = array<i32>} : memref<16x128xf32, #tpu.memory_space<vmem>>, vector<1x16xf32>,
      %scan3A_75 = arith.constant 0 : i32
      scf.yield %scan3A_75 : i32
    }
    %scan3A_8 = arith.constant 16 : i32
    %scan3A_9 = arith.constant 0 : i32
    %scan3A_10 = arith.constant 0 : i32
    %scan3A_11 = arith.constant 128 : i32
    %scan3A_12 = arith.addi %scan3A_10, %scan3A_11 : i32
    %scan3A_13 = arith.constant 1 : i32
    %scan3A_14 = scf.for %scan3A_34 = %scan3A_10 to %scan3A_12 step %scan3A_13 iter_args(%scan3A_35 = %scan3A_9) -> (i32)  : i32 {
      %swap3A = arith.index_cast %scan3A_34 : i32 to index
      %swap3A_36 = arith.constant 0 : index
      %swap3A_37 = tpu.vector_load %arg5[%swap3A, %swap3A_36] {strides = array<i32>} : memref<128x128xf32, #tpu.memory_space<vmem>>, vector<1x16xf32>,
      %swap3A_38 = vector.shape_cast %swap3A_37 : vector<1x16xf32> to vector<16xf32>
      %swap3A_39 = vector.shape_cast %broadcast_in_dim3A_2 : vector<16xf32> to vector<1x16xf32>
      tpu.vector_store %arg5[%swap3A, %swap3A_36], %swap3A_39 {strides = array<i32>} : memref<128x128xf32, #tpu.memory_space<vmem>>, vector<1x16xf32>,
      %swap3A_40 = arith.index_cast %scan3A_34 : i32 to index
      %swap3A_41 = arith.constant 16 : index
      %swap3A_42 = tpu.vector_load %arg5[%swap3A_40, %swap3A_41] {strides = array<i32>} : memref<128x128xf32, #tpu.memory_space<vmem>>, vector<1x16xf32>,
      %swap3A_43 = vector.shape_cast %swap3A_42 : vector<1x16xf32> to vector<16xf32>
      %swap3A_44 = vector.shape_cast %broadcast_in_dim3A_2 : vector<16xf32> to vector<1x16xf32>
      tpu.vector_store %arg5[%swap3A_40, %swap3A_41], %swap3A_44 {strides = array<i32>} : memref<128x128xf32, #tpu.memory_space<vmem>>, vector<1x16xf32>,
      %swap3A_45 = arith.index_cast %scan3A_34 : i32 to index
      %swap3A_46 = arith.constant 32 : index
      %swap3A_47 = tpu.vector_load %arg5[%swap3A_45, %swap3A_46] {strides = array<i32>} : memref<128x128xf32, #tpu.memory_space<vmem>>, vector<1x16xf32>,
      %swap3A_48 = vector.shape_cast %swap3A_47 : vector<1x16xf32> to vector<16xf32>
      %swap3A_49 = vector.shape_cast %broadcast_in_dim3A_2 : vector<16xf32> to vector<1x16xf32>
      tpu.vector_store %arg5[%swap3A_45, %swap3A_46], %swap3A_49 {strides = array<i32>} : memref<128x128xf32, #tpu.memory_space<vmem>>, vector<1x16xf32>,
      %swap3A_50 = arith.index_cast %scan3A_34 : i32 to index
      %swap3A_51 = arith.constant 48 : index
      %swap3A_52 = tpu.vector_load %arg5[%swap3A_50, %swap3A_51] {strides = array<i32>} : memref<128x128xf32, #tpu.memory_space<vmem>>, vector<1x16xf32>,
      %swap3A_53 = vector.shape_cast %swap3A_52 : vector<1x16xf32> to vector<16xf32>
      %swap3A_54 = vector.shape_cast %broadcast_in_dim3A_2 : vector<16xf32> to vector<1x16xf32>
      tpu.vector_store %arg5[%swap3A_50, %swap3A_51], %swap3A_54 {strides = array<i32>} : memref<128x128xf32, #tpu.memory_space<vmem>>, vector<1x16xf32>,
      %swap3A_55 = arith.index_cast %scan3A_34 : i32 to index
      %swap3A_56 = arith.constant 64 : index
      %swap3A_57 = tpu.vector_load %arg5[%swap3A_55, %swap3A_56] {strides = array<i32>} : memref<128x128xf32, #tpu.memory_space<vmem>>, vector<1x16xf32>,
      %swap3A_58 = vector.shape_cast %swap3A_57 : vector<1x16xf32> to vector<16xf32>
      %swap3A_59 = vector.shape_cast %broadcast_in_dim3A_2 : vector<16xf32> to vector<1x16xf32>
      tpu.vector_store %arg5[%swap3A_55, %swap3A_56], %swap3A_59 {strides = array<i32>} : memref<128x128xf32, #tpu.memory_space<vmem>>, vector<1x16xf32>,
      %swap3A_60 = arith.index_cast %scan3A_34 : i32 to index
      %swap3A_61 = arith.constant 80 : index
      %swap3A_62 = tpu.vector_load %arg5[%swap3A_60, %swap3A_61] {strides = array<i32>} : memref<128x128xf32, #tpu.memory_space<vmem>>, vector<1x16xf32>,
      %swap3A_63 = vector.shape_cast %swap3A_62 : vector<1x16xf32> to vector<16xf32>
      %swap3A_64 = vector.shape_cast %broadcast_in_dim3A_2 : vector<16xf32> to vector<1x16xf32>
      tpu.vector_store %arg5[%swap3A_60, %swap3A_61], %swap3A_64 {strides = array<i32>} : memref<128x128xf32, #tpu.memory_space<vmem>>, vector<1x16xf32>,
      %swap3A_65 = arith.index_cast %scan3A_34 : i32 to index
      %swap3A_66 = arith.constant 96 : index
      %swap3A_67 = tpu.vector_load %arg5[%swap3A_65, %swap3A_66] {strides = array<i32>} : memref<128x128xf32, #tpu.memory_space<vmem>>, vector<1x16xf32>,
      %swap3A_68 = vector.shape_cast %swap3A_67 : vector<1x16xf32> to vector<16xf32>
      %swap3A_69 = vector.shape_cast %broadcast_in_dim3A_2 : vector<16xf32> to vector<1x16xf32>
      tpu.vector_store %arg5[%swap3A_65, %swap3A_66], %swap3A_69 {strides = array<i32>} : memref<128x128xf32, #tpu.memory_space<vmem>>, vector<1x16xf32>,
      %swap3A_70 = arith.index_cast %scan3A_34 : i32 to index
      %swap3A_71 = arith.constant 112 : index
      %swap3A_72 = tpu.vector_load %arg5[%swap3A_70, %swap3A_71] {strides = array<i32>} : memref<128x128xf32, #tpu.memory_space<vmem>>, vector<1x16xf32>,
      %swap3A_73 = vector.shape_cast %swap3A_72 : vector<1x16xf32> to vector<16xf32>
      %swap3A_74 = vector.shape_cast %broadcast_in_dim3A_2 : vector<16xf32> to vector<1x16xf32>
      tpu.vector_store %arg5[%swap3A_70, %swap3A_71], %swap3A_74 {strides = array<i32>} : memref<128x128xf32, #tpu.memory_space<vmem>>, vector<1x16xf32>,
      %scan3A_75 = arith.constant 0 : i32
      scf.yield %scan3A_75 : i32
    }
    %scan3A_15 = arith.constant 128 : i32
    %mul3A = arith.constant 16 : i32
    %mul3A_16 = arith.muli %arg0, %mul3A : i32
    %add3A = arith.addi %mul3A_16, %arg1 : i32
    "tpu.region"() ({
      %run_scoped3A = tpu.sem_alloc : memref<!tpu.dma_semaphore, #tpu.memory_space<semaphore_mem>>
      %dma_start3A = arith.constant 0 : i32
      %dma_start3A_34 = arith.constant 0 : i32
      %dma_start3A_35 = tpu.memref_slice %arg2[%add3A, %dma_start3A, %dma_start3A_34] : memref<32x40x128xi32, #tpu.memory_space<hbm>> -> memref<1x40x128xi32, #tpu.memory_space<hbm>>
      %dma_start3A_36 = tpu.memref_squeeze %dma_start3A_35 : memref<1x40x128xi32, #tpu.memory_space<hbm>> -> memref<40x128xi32, #tpu.memory_space<hbm>>
      %dma_start3A_37 = arith.constant 0 : i32
      %dma_start3A_38 = arith.constant 0 : i32
      %dma_start3A_39 = tpu.memref_slice %arg2[%add3A, %dma_start3A_37, %dma_start3A_38] : memref<32x40x128xi32, #tpu.memory_space<hbm>> -> memref<1x40x128xi32, #tpu.memory_space<hbm>>
      %dma_start3A_40 = tpu.memref_squeeze %dma_start3A_39 : memref<1x40x128xi32, #tpu.memory_space<hbm>> -> memref<40x128xi32, #tpu.memory_space<hbm>>
      tpu.enqueue_dma source(%dma_start3A_40 : memref<40x128xi32, #tpu.memory_space<hbm>>) target(%arg4 : memref<40x128xi32, #tpu.memory_space<vmem>>) target_semaphore(%run_scoped3A : memref<!tpu.dma_semaphore, #tpu.memory_space<semaphore_mem>>)
      %dma_wait3A = arith.constant 0 : i32
      %dma_wait3A_41 = arith.constant 0 : i32
      %dma_wait3A_42 = tpu.memref_slice %arg2[%add3A, %dma_wait3A, %dma_wait3A_41] : memref<32x40x128xi32, #tpu.memory_space<hbm>> -> memref<1x40x128xi32, #tpu.memory_space<hbm>>
      %dma_wait3A_43 = tpu.memref_squeeze %dma_wait3A_42 : memref<1x40x128xi32, #tpu.memory_space<hbm>> -> memref<40x128xi32, #tpu.memory_space<hbm>>
      %dma_wait3A_44 = arith.constant 0 : i32
      %dma_wait3A_45 = arith.constant 0 : i32
      %dma_wait3A_46 = tpu.memref_slice %arg2[%add3A, %dma_wait3A_44, %dma_wait3A_45] : memref<32x40x128xi32, #tpu.memory_space<hbm>> -> memref<1x40x128xi32, #tpu.memory_space<hbm>>
      %dma_wait3A_47 = tpu.memref_squeeze %dma_wait3A_46 : memref<1x40x128xi32, #tpu.memory_space<hbm>> -> memref<40x128xi32, #tpu.memory_space<hbm>>
      tpu.wait_dma2 semaphore(%run_scoped3A : memref<!tpu.dma_semaphore, #tpu.memory_space<semaphore_mem>>) src(%dma_wait3A_47 : memref<40x128xi32, #tpu.memory_space<hbm>>) dst(%arg4 : memref<40x128xi32, #tpu.memory_space<vmem>>)
      tpu.yield
    }) : () -> ()
    %mul3A_17 = arith.constant 640 : i32
    %mul3A_18 = arith.muli %arg1, %mul3A_17 : i32
    %scan3A_19 = arith.constant 0 : i32
    %scan3A_20 = arith.constant 0 : i32
    %scan3A_21 = arith.constant 40 : i32
    %scan3A_22 = arith.addi %scan3A_20, %scan3A_21 : i32
    %scan3A_23 = arith.constant 1 : i32
    %scan3A_24 = scf.for %scan3A_34 = %scan3A_20 to %scan3A_22 step %scan3A_23 iter_args(%scan3A_35 = %scan3A_19) -> (i32)  : i32 {
      %mul3A_36 = arith.constant 16 : i32
      %mul3A_37 = arith.muli %scan3A_34, %mul3A_36 : i32
      %add3A_38 = arith.addi %mul3A_18, %mul3A_37 : i32
      "tpu.region"() ({
        %run_scoped3A = tpu.sem_alloc : memref<!tpu.dma_semaphore, #tpu.memory_space<semaphore_mem>>
        %dma_start3A = arith.constant 0 : i32
        %dma_start3A_40 = tpu.memref_slice %arg7[%add3A_38, %dma_start3A] : memref<10240x128xf32, #tpu.memory_space<vmem_shared>> -> memref<16x128xf32, #tpu.memory_space<vmem_shared>>
        %dma_start3A_41 = arith.constant 0 : i32
        %dma_start3A_42 = tpu.memref_slice %arg7[%add3A_38, %dma_start3A_41] : memref<10240x128xf32, #tpu.memory_space<vmem_shared>> -> memref<16x128xf32, #tpu.memory_space<vmem_shared>>
        tpu.enqueue_dma source(%arg6 : memref<16x128xf32, #tpu.memory_space<vmem>>) target(%dma_start3A_42 : memref<16x128xf32, #tpu.memory_space<vmem_shared>>) target_semaphore(%run_scoped3A : memref<!tpu.dma_semaphore, #tpu.memory_space<semaphore_mem>>)
        %dma_wait3A = arith.constant 0 : i32
        %dma_wait3A_43 = tpu.memref_slice %arg7[%add3A_38, %dma_wait3A] : memref<10240x128xf32, #tpu.memory_space<vmem_shared>> -> memref<16x128xf32, #tpu.memory_space<vmem_shared>>
        %dma_wait3A_44 = arith.constant 0 : i32
        %dma_wait3A_45 = tpu.memref_slice %arg7[%add3A_38, %dma_wait3A_44] : memref<10240x128xf32, #tpu.memory_space<vmem_shared>> -> memref<16x128xf32, #tpu.memory_space<vmem_shared>>
        tpu.wait_dma2 semaphore(%run_scoped3A : memref<!tpu.dma_semaphore, #tpu.memory_space<semaphore_mem>>) src(%arg6 : memref<16x128xf32, #tpu.memory_space<vmem>>) dst(%dma_wait3A_45 : memref<16x128xf32, #tpu.memory_space<vmem_shared>>)
        tpu.yield
      }) : () -> ()
      %scan3A_39 = arith.constant 0 : i32
      scf.yield %scan3A_39 : i32
    }
    %scan3A_25 = arith.constant 40 : i32
    %barrier3A = arith.constant 0 : index
    tpu.barrier barrier_id(%barrier3A)
    %scan3A_26 = arith.constant 0 : i32
    %scan3A_27 = arith.constant 0 : i32
    %scan3A_28 = arith.constant 10 : i32
    %scan3A_29 = arith.addi %scan3A_27, %scan3A_28 : i32
    %scan3A_30 = arith.constant 1 : i32
    %scan3A_31 = scf.for %scan3A_34 = %scan3A_27 to %scan3A_29 step %scan3A_30 iter_args(%scan3A_35 = %scan3A_26) -> (i32)  : i32 {
      %mul3A_36 = arith.constant 4 : i32
      %mul3A_37 = arith.muli %scan3A_34, %mul3A_36 : i32
      %add3A_38 = arith.constant 0 : i32
      %add3A_39 = arith.addi %mul3A_37, %add3A_38 : i32
      %dma_start3A = arith.constant 0 : i32
      %dma_start3A_40 = tpu.memref_slice %arg4[%add3A_39, %dma_start3A] : memref<40x128xi32, #tpu.memory_space<vmem>> -> memref<1x128xi32, #tpu.memory_space<vmem>>
      %dma_start3A_41 = tpu.memref_squeeze %dma_start3A_40 : memref<1x128xi32, #tpu.memory_space<vmem>> -> memref<128xi32, #tpu.memory_space<vmem>>
      %dma_start3A_42 = arith.constant 0 : i32
      %dma_start3A_43 = arith.constant 0 : i32
      %dma_start3A_44 = tpu.memref_slice %arg7[%dma_start3A_42, %dma_start3A_43] : memref<10240x128xf32, #tpu.memory_space<vmem_shared>> -> memref<10240x128xf32, #tpu.memory_space<vmem_shared>>
      tpu.enqueue_indirect_dma source(%arg5 : memref<128x128xf32, #tpu.memory_space<vmem>>) target(%dma_start3A_44 : memref<10240x128xf32, #tpu.memory_space<vmem_shared>>) offsets(%dma_start3A_41 : memref<128xi32, #tpu.memory_space<vmem>>) semaphore(%arg8 : memref<!tpu.dma_semaphore, #tpu.memory_space<semaphore_mem>>) {add = true}
      %add3A_45 = arith.constant 1 : i32
      %add3A_46 = arith.addi %mul3A_37, %add3A_45 : i32
      %dma_start3A_47 = arith.constant 0 : i32
      %dma_start3A_48 = tpu.memref_slice %arg4[%add3A_46, %dma_start3A_47] : memref<40x128xi32, #tpu.memory_space<vmem>> -> memref<1x128xi32, #tpu.memory_space<vmem>>
      %dma_start3A_49 = tpu.memref_squeeze %dma_start3A_48 : memref<1x128xi32, #tpu.memory_space<vmem>> -> memref<128xi32, #tpu.memory_space<vmem>>
      %dma_start3A_50 = arith.constant 0 : i32
      %dma_start3A_51 = arith.constant 0 : i32
      %dma_start3A_52 = tpu.memref_slice %arg7[%dma_start3A_50, %dma_start3A_51] : memref<10240x128xf32, #tpu.memory_space<vmem_shared>> -> memref<10240x128xf32, #tpu.memory_space<vmem_shared>>
      tpu.enqueue_indirect_dma source(%arg5 : memref<128x128xf32, #tpu.memory_space<vmem>>) target(%dma_start3A_52 : memref<10240x128xf32, #tpu.memory_space<vmem_shared>>) offsets(%dma_start3A_49 : memref<128xi32, #tpu.memory_space<vmem>>) semaphore(%arg8 : memref<!tpu.dma_semaphore, #tpu.memory_space<semaphore_mem>>) {add = true}
      %add3A_53 = arith.constant 2 : i32
      %add3A_54 = arith.addi %mul3A_37, %add3A_53 : i32
      %dma_start3A_55 = arith.constant 0 : i32
      %dma_start3A_56 = tpu.memref_slice %arg4[%add3A_54, %dma_start3A_55] : memref<40x128xi32, #tpu.memory_space<vmem>> -> memref<1x128xi32, #tpu.memory_space<vmem>>
      %dma_start3A_57 = tpu.memref_squeeze %dma_start3A_56 : memref<1x128xi32, #tpu.memory_space<vmem>> -> memref<128xi32, #tpu.memory_space<vmem>>
      %dma_start3A_58 = arith.constant 0 : i32
      %dma_start3A_59 = arith.constant 0 : i32
      %dma_start3A_60 = tpu.memref_slice %arg7[%dma_start3A_58, %dma_start3A_59] : memref<10240x128xf32, #tpu.memory_space<vmem_shared>> -> memref<10240x128xf32, #tpu.memory_space<vmem_shared>>
      tpu.enqueue_indirect_dma source(%arg5 : memref<128x128xf32, #tpu.memory_space<vmem>>) target(%dma_start3A_60 : memref<10240x128xf32, #tpu.memory_space<vmem_shared>>) offsets(%dma_start3A_57 : memref<128xi32, #tpu.memory_space<vmem>>) semaphore(%arg8 : memref<!tpu.dma_semaphore, #tpu.memory_space<semaphore_mem>>) {add = true}
      %add3A_61 = arith.constant 3 : i32
      %add3A_62 = arith.addi %mul3A_37, %add3A_61 : i32
      %dma_start3A_63 = arith.constant 0 : i32
      %dma_start3A_64 = tpu.memref_slice %arg4[%add3A_62, %dma_start3A_63] : memref<40x128xi32, #tpu.memory_space<vmem>> -> memref<1x128xi32, #tpu.memory_space<vmem>>
      %dma_start3A_65 = tpu.memref_squeeze %dma_start3A_64 : memref<1x128xi32, #tpu.memory_space<vmem>> -> memref<128xi32, #tpu.memory_space<vmem>>
      %dma_start3A_66 = arith.constant 0 : i32
      %dma_start3A_67 = arith.constant 0 : i32
      %dma_start3A_68 = tpu.memref_slice %arg7[%dma_start3A_66, %dma_start3A_67] : memref<10240x128xf32, #tpu.memory_space<vmem_shared>> -> memref<10240x128xf32, #tpu.memory_space<vmem_shared>>
      tpu.enqueue_indirect_dma source(%arg5 : memref<128x128xf32, #tpu.memory_space<vmem>>) target(%dma_start3A_68 : memref<10240x128xf32, #tpu.memory_space<vmem_shared>>) offsets(%dma_start3A_65 : memref<128xi32, #tpu.memory_space<vmem>>) semaphore(%arg8 : memref<!tpu.dma_semaphore, #tpu.memory_space<semaphore_mem>>) {add = true}
      %add3A_69 = arith.constant 0 : i32
      %add3A_70 = arith.addi %mul3A_37, %add3A_69 : i32
      %dma_wait3A = arith.constant 0 : i32
      %dma_wait3A_71 = tpu.memref_slice %arg4[%add3A_70, %dma_wait3A] : memref<40x128xi32, #tpu.memory_space<vmem>> -> memref<1x128xi32, #tpu.memory_space<vmem>>
      %dma_wait3A_72 = tpu.memref_squeeze %dma_wait3A_71 : memref<1x128xi32, #tpu.memory_space<vmem>> -> memref<128xi32, #tpu.memory_space<vmem>>
      %dma_wait3A_73 = arith.constant 0 : i32
      %dma_wait3A_74 = arith.constant 0 : i32
      %dma_wait3A_75 = tpu.memref_slice %arg7[%dma_wait3A_73, %dma_wait3A_74] : memref<10240x128xf32, #tpu.memory_space<vmem_shared>> -> memref<10240x128xf32, #tpu.memory_space<vmem_shared>>
      tpu.wait_indirect_dma semaphore(%arg8 : memref<!tpu.dma_semaphore, #tpu.memory_space<semaphore_mem>>) src(%arg5 : memref<128x128xf32, #tpu.memory_space<vmem>>) dst(%dma_wait3A_75 : memref<10240x128xf32, #tpu.memory_space<vmem_shared>>)
      %add3A_76 = arith.constant 1 : i32
      %add3A_77 = arith.addi %mul3A_37, %add3A_76 : i32
      %dma_wait3A_78 = arith.constant 0 : i32
      %dma_wait3A_79 = tpu.memref_slice %arg4[%add3A_77, %dma_wait3A_78] : memref<40x128xi32, #tpu.memory_space<vmem>> -> memref<1x128xi32, #tpu.memory_space<vmem>>
      %dma_wait3A_80 = tpu.memref_squeeze %dma_wait3A_79 : memref<1x128xi32, #tpu.memory_space<vmem>> -> memref<128xi32, #tpu.memory_space<vmem>>
      %dma_wait3A_81 = arith.constant 0 : i32
      %dma_wait3A_82 = arith.constant 0 : i32
      %dma_wait3A_83 = tpu.memref_slice %arg7[%dma_wait3A_81, %dma_wait3A_82] : memref<10240x128xf32, #tpu.memory_space<vmem_shared>> -> memref<10240x128xf32, #tpu.memory_space<vmem_shared>>
      tpu.wait_indirect_dma semaphore(%arg8 : memref<!tpu.dma_semaphore, #tpu.memory_space<semaphore_mem>>) src(%arg5 : memref<128x128xf32, #tpu.memory_space<vmem>>) dst(%dma_wait3A_83 : memref<10240x128xf32, #tpu.memory_space<vmem_shared>>)
      %add3A_84 = arith.constant 2 : i32
      %add3A_85 = arith.addi %mul3A_37, %add3A_84 : i32
      %dma_wait3A_86 = arith.constant 0 : i32
      %dma_wait3A_87 = tpu.memref_slice %arg4[%add3A_85, %dma_wait3A_86] : memref<40x128xi32, #tpu.memory_space<vmem>> -> memref<1x128xi32, #tpu.memory_space<vmem>>
      %dma_wait3A_88 = tpu.memref_squeeze %dma_wait3A_87 : memref<1x128xi32, #tpu.memory_space<vmem>> -> memref<128xi32, #tpu.memory_space<vmem>>
      %dma_wait3A_89 = arith.constant 0 : i32
      %dma_wait3A_90 = arith.constant 0 : i32
      %dma_wait3A_91 = tpu.memref_slice %arg7[%dma_wait3A_89, %dma_wait3A_90] : memref<10240x128xf32, #tpu.memory_space<vmem_shared>> -> memref<10240x128xf32, #tpu.memory_space<vmem_shared>>
      tpu.wait_indirect_dma semaphore(%arg8 : memref<!tpu.dma_semaphore, #tpu.memory_space<semaphore_mem>>) src(%arg5 : memref<128x128xf32, #tpu.memory_space<vmem>>) dst(%dma_wait3A_91 : memref<10240x128xf32, #tpu.memory_space<vmem_shared>>)
      %add3A_92 = arith.constant 3 : i32
      %add3A_93 = arith.addi %mul3A_37, %add3A_92 : i32
      %dma_wait3A_94 = arith.constant 0 : i32
      %dma_wait3A_95 = tpu.memref_slice %arg4[%add3A_93, %dma_wait3A_94] : memref<40x128xi32, #tpu.memory_space<vmem>> -> memref<1x128xi32, #tpu.memory_space<vmem>>
      %dma_wait3A_96 = tpu.memref_squeeze %dma_wait3A_95 : memref<1x128xi32, #tpu.memory_space<vmem>> -> memref<128xi32, #tpu.memory_space<vmem>>
      %dma_wait3A_97 = arith.constant 0 : i32
      %dma_wait3A_98 = arith.constant 0 : i32
      %dma_wait3A_99 = tpu.memref_slice %arg7[%dma_wait3A_97, %dma_wait3A_98] : memref<10240x128xf32, #tpu.memory_space<vmem_shared>> -> memref<10240x128xf32, #tpu.memory_space<vmem_shared>>
      tpu.wait_indirect_dma semaphore(%arg8 : memref<!tpu.dma_semaphore, #tpu.memory_space<semaphore_mem>>) src(%arg5 : memref<128x128xf32, #tpu.memory_space<vmem>>) dst(%dma_wait3A_99 : memref<10240x128xf32, #tpu.memory_space<vmem_shared>>)
      %scan3A_100 = arith.constant 0 : i32
      scf.yield %scan3A_100 : i32
    }
    %scan3A_32 = arith.constant 10 : i32
    %barrier3A_33 = arith.constant 0 : index
    tpu.barrier barrier_id(%barrier3A_33)
    "tpu.region"() ({
      %run_scoped3A = tpu.sem_alloc : memref<!tpu.dma_semaphore, #tpu.memory_space<semaphore_mem>>
      %dma_start3A = arith.constant 0 : i32
      %dma_start3A_34 = tpu.memref_slice %arg3[%arg0, %mul3A_18, %dma_start3A] : memref<2x10240x128xf32, #tpu.memory_space<hbm>> -> memref<1x640x128xf32, #tpu.memory_space<hbm>>
      %dma_start3A_35 = tpu.memref_squeeze %dma_start3A_34 : memref<1x640x128xf32, #tpu.memory_space<hbm>> -> memref<640x128xf32, #tpu.memory_space<hbm>>
      %dma_start3A_36 = arith.constant 0 : i32
      %dma_start3A_37 = tpu.memref_slice %arg7[%mul3A_18, %dma_start3A_36] : memref<10240x128xf32, #tpu.memory_space<vmem_shared>> -> memref<640x128xf32, #tpu.memory_space<vmem_shared>>
      tpu.enqueue_dma source(%dma_start3A_37 : memref<640x128xf32, #tpu.memory_space<vmem_shared>>) target(%dma_start3A_35 : memref<640x128xf32, #tpu.memory_space<hbm>>) target_semaphore(%run_scoped3A : memref<!tpu.dma_semaphore, #tpu.memory_space<semaphore_mem>>)
      %dma_wait3A = arith.constant 0 : i32
      %dma_wait3A_38 = tpu.memref_slice %arg3[%arg0, %mul3A_18, %dma_wait3A] : memref<2x10240x128xf32, #tpu.memory_space<hbm>> -> memref<1x640x128xf32, #tpu.memory_space<hbm>>
      %dma_wait3A_39 = tpu.memref_squeeze %dma_wait3A_38 : memref<1x640x128xf32, #tpu.memory_space<hbm>> -> memref<640x128xf32, #tpu.memory_space<hbm>>
      %dma_wait3A_40 = arith.constant 0 : i32
      %dma_wait3A_41 = tpu.memref_slice %arg7[%mul3A_18, %dma_wait3A_40] : memref<10240x128xf32, #tpu.memory_space<vmem_shared>> -> memref<640x128xf32, #tpu.memory_space<vmem_shared>>
      tpu.wait_dma2 semaphore(%run_scoped3A : memref<!tpu.dma_semaphore, #tpu.memory_space<semaphore_mem>>) src(%dma_wait3A_41 : memref<640x128xf32, #tpu.memory_space<vmem_shared>>) dst(%dma_wait3A_39 : memref<640x128xf32, #tpu.memory_space<hbm>>)
      tpu.yield
    }) : () -> ()
    return
  }
}

module attributes {stable_mosaic.version = 14 : i64} {
  func.func @_mlp_body(%arg0: i32, %arg1: memref<1000x256xf32, #tpu.memory_space<vmem>>, %arg2: memref<2x1000x128xf32, #tpu.memory_space<vmem>>, %arg3: memref<2x1000x128xf32, #tpu.memory_space<vmem>>, %arg4: memref<256x512xf32, #tpu.memory_space<vmem>>, %arg5: memref<1x512xf32, #tpu.memory_space<vmem>>, %arg6: memref<256x512xf32, #tpu.memory_space<vmem>>, %arg7: memref<1x512xf32, #tpu.memory_space<vmem>>, %arg8: memref<512x256xf32, #tpu.memory_space<vmem>>, %arg9: memref<1x256xf32, #tpu.memory_space<vmem>>, %arg10: memref<1000x256xf32, #tpu.memory_space<vmem>>) attributes {dimension_semantics = [#tpu.dimension_semantics<arbitrary>], iteration_bounds = array<i64: 10>, scalar_prefetch = 0 : i64, scratch_operands = 0 : i64, tpu.core_type = #tpu.core_type<tc>, window_params = [{transform_indices = @transform_0, window_bounds = array<i64: 1000, 256>}, {transform_indices = @transform_1, window_bounds = array<i64: 2, 1000, 128>}, {transform_indices = @transform_2, window_bounds = array<i64: 2, 1000, 128>}, {pipeline_mode = #tpu.pipeline_mode<synchronous>, transform_indices = @transform_3, window_bounds = array<i64: 256, 512>}, {pipeline_mode = #tpu.pipeline_mode<synchronous>, transform_indices = @transform_4, window_bounds = array<i64: 1, 512>}, {pipeline_mode = #tpu.pipeline_mode<synchronous>, transform_indices = @transform_5, window_bounds = array<i64: 256, 512>}, {pipeline_mode = #tpu.pipeline_mode<synchronous>, transform_indices = @transform_6, window_bounds = array<i64: 1, 512>}, {pipeline_mode = #tpu.pipeline_mode<synchronous>, transform_indices = @transform_7, window_bounds = array<i64: 512, 256>}, {pipeline_mode = #tpu.pipeline_mode<synchronous>, transform_indices = @transform_8, window_bounds = array<i64: 1, 256>}, {transform_indices = @transform_9, window_bounds = array<i64: 1000, 256>}]} {
    %get3A = arith.constant 0 : index
    %get3A_0 = arith.constant 0 : index
    %get3A_1 = vector.load %arg1[%get3A, %get3A_0] : memref<1000x256xf32, #tpu.memory_space<vmem>>, vector<1000x256xf32>
    %get3A_2 = arith.constant 0 : index
    %get3A_3 = arith.constant 0 : index
    %get3A_4 = vector.load %arg4[%get3A_2, %get3A_3] : memref<256x512xf32, #tpu.memory_space<vmem>>, vector<256x512xf32>
    %dot_general3A = arith.constant dense<0.000000e+00> : vector<1000x512xf32>
    %dot_general3A_5 = tpu.matmul %get3A_1, %get3A_4, %dot_general3A {dimension_numbers = #tpu.dot_dimension_numbers<[1], [0], [0], [1], [0, 0, 1, 1], [], []>, transpose_lhs_hint = false} : vector<1000x256xf32>, vector<256x512xf32>, vector<1000x512xf32> -> vector<1000x512xf32>
    %get3A_6 = arith.constant 0 : index
    %get3A_7 = arith.constant 0 : index
    %get3A_8 = vector.load %arg5[%get3A_6, %get3A_7] : memref<1x512xf32, #tpu.memory_space<vmem>>, vector<1x512xf32>
    %add3A = vector.broadcast %get3A_8 : vector<1x512xf32> to vector<1000x512xf32>
    %add3A_9 = arith.addf %dot_general3A_5, %add3A : vector<1000x512xf32>
    %get3A_10 = arith.constant 0 : index
    %get3A_11 = arith.constant 0 : index
    %get3A_12 = arith.constant 0 : index
    %get3A_13 = vector.load %arg2[%get3A_10, %get3A_11, %get3A_12] : memref<2x1000x128xf32, #tpu.memory_space<vmem>>, vector<2x1000x128xf32>
    %slice3A = vector.extract_strided_slice %get3A_13 {offsets = [0, 0, 0], sizes = [1, 1000, 128], strides = [1, 1, 1]} : vector<2x1000x128xf32> to vector<1x1000x128xf32>
    %squeeze3A = vector.shape_cast %slice3A : vector<1x1000x128xf32> to vector<1000x128xf32>
    %slice3A_14 = vector.extract_strided_slice %get3A_13 {offsets = [1, 0, 0], sizes = [1, 1000, 128], strides = [1, 1, 1]} : vector<2x1000x128xf32> to vector<1x1000x128xf32>
    %squeeze3A_15 = vector.shape_cast %slice3A_14 : vector<1x1000x128xf32> to vector<1000x128xf32>
    %concatenate3A = tpu.concatenate %squeeze3A, %squeeze3A_15 in 1 : vector<1000x128xf32>, vector<1000x128xf32> -> vector<1000x256xf32>
    %get3A_16 = arith.constant 0 : index
    %get3A_17 = arith.constant 0 : index
    %get3A_18 = arith.constant 0 : index
    %get3A_19 = vector.load %arg3[%get3A_16, %get3A_17, %get3A_18] : memref<2x1000x128xf32, #tpu.memory_space<vmem>>, vector<2x1000x128xf32>
    %slice3A_20 = vector.extract_strided_slice %get3A_19 {offsets = [0, 0, 0], sizes = [1, 1000, 128], strides = [1, 1, 1]} : vector<2x1000x128xf32> to vector<1x1000x128xf32>
    %squeeze3A_21 = vector.shape_cast %slice3A_20 : vector<1x1000x128xf32> to vector<1000x128xf32>
    %slice3A_22 = vector.extract_strided_slice %squeeze3A_21 {offsets = [0, 0], sizes = [1000, 1], strides = [1, 1]} : vector<1000x128xf32> to vector<1000x1xf32>
    %slice3A_23 = vector.extract_strided_slice %get3A_19 {offsets = [1, 0, 0], sizes = [1, 1000, 128], strides = [1, 1, 1]} : vector<2x1000x128xf32> to vector<1x1000x128xf32>
    %squeeze3A_24 = vector.shape_cast %slice3A_23 : vector<1x1000x128xf32> to vector<1000x128xf32>
    %slice3A_25 = vector.extract_strided_slice %squeeze3A_24 {offsets = [0, 0], sizes = [1000, 1], strides = [1, 1]} : vector<1000x128xf32> to vector<1000x1xf32>
    %add3A_26 = arith.addf %slice3A_22, %slice3A_25 : vector<1000x1xf32>
    %max3A = arith.constant 1.000000e+00 : f32
    %max3A_27 = vector.broadcast %max3A : f32 to vector<1000x1xf32>
    %max3A_28 = arith.maximumf %add3A_26, %max3A_27 : vector<1000x1xf32>
    %div3A = vector.broadcast %max3A_28 : vector<1000x1xf32> to vector<1000x256xf32>
    %div3A_29 = arith.divf %concatenate3A, %div3A : vector<1000x256xf32>
    %get3A_30 = arith.constant 0 : index
    %get3A_31 = arith.constant 0 : index
    %get3A_32 = vector.load %arg6[%get3A_30, %get3A_31] : memref<256x512xf32, #tpu.memory_space<vmem>>, vector<256x512xf32>
    %dot_general3A_33 = arith.constant dense<0.000000e+00> : vector<1000x512xf32>
    %dot_general3A_34 = tpu.matmul %div3A_29, %get3A_32, %dot_general3A_33 {dimension_numbers = #tpu.dot_dimension_numbers<[1], [0], [0], [1], [0, 0, 1, 1], [], []>, transpose_lhs_hint = false} : vector<1000x256xf32>, vector<256x512xf32>, vector<1000x512xf32> -> vector<1000x512xf32>
    %get3A_35 = arith.constant 0 : index
    %get3A_36 = arith.constant 0 : index
    %get3A_37 = vector.load %arg7[%get3A_35, %get3A_36] : memref<1x512xf32, #tpu.memory_space<vmem>>, vector<1x512xf32>
    %add3A_38 = vector.broadcast %get3A_37 : vector<1x512xf32> to vector<1000x512xf32>
    %add3A_39 = arith.addf %dot_general3A_34, %add3A_38 : vector<1000x512xf32>
    %add3A_40 = arith.addf %add3A_9, %add3A_39 : vector<1000x512xf32>
    %max3A_41 = arith.constant 0.000000e+00 : f32
    %max3A_42 = vector.broadcast %max3A_41 : f32 to vector<1000x512xf32>
    %max3A_43 = arith.maximumf %add3A_40, %max3A_42 : vector<1000x512xf32>
    %get3A_44 = arith.constant 0 : index
    %get3A_45 = arith.constant 0 : index
    %get3A_46 = vector.load %arg8[%get3A_44, %get3A_45] : memref<512x256xf32, #tpu.memory_space<vmem>>, vector<512x256xf32>
    %dot_general3A_47 = arith.constant dense<0.000000e+00> : vector<1000x256xf32>
    %dot_general3A_48 = tpu.matmul %max3A_43, %get3A_46, %dot_general3A_47 {dimension_numbers = #tpu.dot_dimension_numbers<[1], [0], [0], [1], [0, 0, 1, 1], [], []>, transpose_lhs_hint = false} : vector<1000x512xf32>, vector<512x256xf32>, vector<1000x256xf32> -> vector<1000x256xf32>
    %get3A_49 = arith.constant 0 : index
    %get3A_50 = arith.constant 0 : index
    %get3A_51 = vector.load %arg9[%get3A_49, %get3A_50] : memref<1x256xf32, #tpu.memory_space<vmem>>, vector<1x256xf32>
    %add3A_52 = vector.broadcast %get3A_51 : vector<1x256xf32> to vector<1000x256xf32>
    %add3A_53 = arith.addf %dot_general3A_48, %add3A_52 : vector<1000x256xf32>
    %swap3A = arith.constant 0 : index
    %swap3A_54 = arith.constant 0 : index
    %swap3A_55 = vector.load %arg10[%swap3A, %swap3A_54] : memref<1000x256xf32, #tpu.memory_space<vmem>>, vector<1000x256xf32>
    tpu.vector_store %arg10[%swap3A, %swap3A_54], %add3A_53 {strides = array<i32>} : memref<1000x256xf32, #tpu.memory_space<vmem>>, vector<1000x256xf32>,
    return
  }
  func.func @transform_0(%arg0: i32) -> (i32, i32) {
    %c0_i32 = arith.constant 0 : i32
    %c0_i32_0 = arith.constant 0 : i32
    return %arg0, %c0_i32 : i32, i32
  }
  func.func @transform_1(%arg0: i32) -> (i32, i32, i32) {
    %c0_i32 = arith.constant 0 : i32
    %c0_i32_0 = arith.constant 0 : i32
    %c0_i32_1 = arith.constant 0 : i32
    return %c0_i32, %arg0, %c0_i32_0 : i32, i32, i32
  }
  func.func @transform_2(%arg0: i32) -> (i32, i32, i32) {
    %c0_i32 = arith.constant 0 : i32
    %c0_i32_0 = arith.constant 0 : i32
    %c0_i32_1 = arith.constant 0 : i32
    return %c0_i32, %arg0, %c0_i32_0 : i32, i32, i32
  }
  func.func @transform_3(%arg0: i32) -> (i32, i32) {
    %c0_i32 = arith.constant 0 : i32
    %c0_i32_0 = arith.constant 0 : i32
    %c0_i32_1 = arith.constant 0 : i32
    return %c0_i32, %c0_i32_0 : i32, i32
  }
  func.func @transform_4(%arg0: i32) -> (i32, i32) {
    %c0_i32 = arith.constant 0 : i32
    %c0_i32_0 = arith.constant 0 : i32
    %c0_i32_1 = arith.constant 0 : i32
    return %c0_i32, %c0_i32_0 : i32, i32
  }
  func.func @transform_5(%arg0: i32) -> (i32, i32) {
    %c0_i32 = arith.constant 0 : i32
    %c0_i32_0 = arith.constant 0 : i32
    %c0_i32_1 = arith.constant 0 : i32
    return %c0_i32, %c0_i32_0 : i32, i32
  }
  func.func @transform_6(%arg0: i32) -> (i32, i32) {
    %c0_i32 = arith.constant 0 : i32
    %c0_i32_0 = arith.constant 0 : i32
    %c0_i32_1 = arith.constant 0 : i32
    return %c0_i32, %c0_i32_0 : i32, i32
  }
  func.func @transform_7(%arg0: i32) -> (i32, i32) {
    %c0_i32 = arith.constant 0 : i32
    %c0_i32_0 = arith.constant 0 : i32
    %c0_i32_1 = arith.constant 0 : i32
    return %c0_i32, %c0_i32_0 : i32, i32
  }
  func.func @transform_8(%arg0: i32) -> (i32, i32) {
    %c0_i32 = arith.constant 0 : i32
    %c0_i32_0 = arith.constant 0 : i32
    %c0_i32_1 = arith.constant 0 : i32
    return %c0_i32, %c0_i32_0 : i32, i32
  }
  func.func @transform_9(%arg0: i32) -> (i32, i32) {
    %c0_i32 = arith.constant 0 : i32
    %c0_i32_0 = arith.constant 0 : i32
    return %arg0, %c0_i32 : i32, i32
  }
}

</mosaic_0001>

<sc_bundles>
// kernel: kernel.5.cloned.1.call-start
scs
__scs_entry_jumppad:
0x0: {  	(pc) =	sbr.rel $0x88, $3  }
0x1: {  	(tag) =	ssettag $0x0;
	lr =	simm.s32 $0x1  }
0x2: {  	[smem:$0x3F99] =	sst lr;
	_ =	strace $0xD0000000  }
0x3: {  	_ = 	snop  }
0x4: {  	_ = 	snop  }
0x5: {  	_ = 	snop  }
0x6: {  	_ = 	snop  }
0x7: {  	_ = 	snop  }
__scs_overlays_trampoline_lowered:
0x8: {  	[smem:$0x3FA8] =	sst s0  }
0x9: {  	[smem:$0x3FA9] =	sst s1  }
0xa: {  	[smem:$0x3FAA] =	sst s2  }
0xb: {  	[smem:$0x3FAB] =	sst s3  }
0xc: {  	[smem:$0x3FAC] =	sst s4  }
0xd: {  	[smem:$0x3FAD] =	sst s5  }
0xe: {  	[smem:$0x3FAE] =	sst s6  }
0xf: {  	[smem:$0x3FAF] =	sst s7  }
0x10: {  	[smem:$0x3FB0] =	sst s8  }
0x11: {  	[smem:$0x3FB1] =	sst s9;
	s0 =	simm.s32 @!p0 $0x0  }
0x12: {  	s1 =	sld [smem:$0x3F97];
	s0 =	simm.s32 @p0 $0x1  }
0x13: {  	[smem:$0x3FB2] =	sst s0;
	s0 =	simm.s32 @!p1 $0x0  }
0x14: {  	s2 =	sld [smem:$0x3F96];
	s0 =	simm.s32 @p1 $0x1  }
0x15: {  	[smem:$0x3FB3] =	sst s0;
	s0 =	simm.s32 @!p2 $0x0  }
0x16: {  	s3 =	sld [smem:$0x3FDB];
	s0 =	simm.s32 @p2 $0x1  }
0x17: {  	s4 =	simm.s32 $0x1BF5;
	[smem:$0x3FB5] =	sst s0  }
0x18: {  	s0 =	sld [smem:$0x3F98];
	_ =	swait.ge [sflag:s4], $0x0  }
0x19: {  	s7 =	sld [smem:$0x3F99]  }
0x1a: {  	s8 =	sadd.s32 $0xFFFFE003, lr  }
0x1b: {  	s9 =	sadd.s32 $0xFFFFFEF7, lr;
	s5 =	simm.s32 $0xFFFFFFFF;
	p2 =	slt.u32 s8, $0xFFFFF086  }
0x1c: {  	p1 =	slt.u32 s9, $0xF7A;
	s5 =	simm.s32 @!p2 $0x0  }
0x1d: {  	s5 =	simm.s32 @p1 $0x1;
	p0 =	seq.s32 s7, s2  }
0x1e: {  	s7 =	smul.u32 @!p0 $0xF7A, s2;
	p2 =	seq.s32 @!p0 s5, $0x0  }
0x1f: {  	s9 =	smul.u32 $0xF7A, s1;
	s8 =	simm.s32 @!p0 $0x1BF5;
	p2 =	por !p2, p0  }
0x20: {  	[sflag:s8] =	ssyncset.s32 @!p0 $0xFFFFF086;
	s6 =	sadd.s32 @!p0 s3, s7;
	s7 =	simm.s32 @!p0 $0x108  }
0x21: {  	s3 =	sadd.s32 s3, s9;
	s6 =	sadd.s32 @!p0 $0x88, s6;
	s7 =	simm.s32 @p2 $0x1082  }
0x22: {  	[simem:s7], [sflag:s8] =	dma.local @!p0 [hbm:s6], $0xF7A  }
0x23: {  	s9 =	sor.u32 $0xD0000000, s2;
	s6 =	simm.s32 $0x108;
	_ =	swait.ge @!p0 [sflag:s8], $0x0  }
0x24: {  	s3 =	sadd.s32 $0x88, s3;
	s6 =	simm.s32 @!p1 $0x1082;
	[sflag:s4] =	ssyncset.s32 $0xFFFFF086  }
0x25: {  	[simem:s6], [sflag:s4] =	dma.local [hbm:s3], $0xF7A  }
0x26: {  	[smem:$0x3F99] =	sst s1;
	(tag) =	ssettag s2;
	_ =	strace s9  }
0x27: {  	s1 =	sld [smem:$0x3FA9]  }
0x28: {  	s2 =	sld [smem:$0x3FAA]  }
0x29: {  	s4 =	sld [smem:$0x3FAC]  }
0x2a: {  	p0 =	seq.s32 s5, $0x0;
	s5 =	sld [smem:$0x3FAD]  }
0x2b: {  	s6 =	sld [smem:$0x3FAE]  }
0x2c: {  	s7 =	sld [smem:$0x3FAF]  }
0x2d: {  	s3 =	simm.s32 $0x108;
	s8 =	sld [smem:$0x3FB0]  }
0x2e: {  	s3 =	simm.s32 @!p0 $0x1082;
	s9 =	sld [smem:$0x3FB1]  }
0x2f: {  	lr =	sadd.s32 s0, s3;
	s0 =	sld [smem:$0x3FA8]  }
0x30: {  	s3 =	sld [smem:$0x3FAB]  }
0x31: {  	[smem:$0x3FB4] =	sst s10  }
0x32: {  	s10 =	sld [smem:$0x3FB2];
	_ =	sdelay $0x3  }
0x33: {  	p0 =	seq.s32 s10, $0x1;
	s10 =	sld [smem:$0x3FB4];
	_ =	sdelay $0x3  }
0x34: {  	[smem:$0x3FB4] =	sst s10  }
0x35: {  	s10 =	sld [smem:$0x3FB3];
	_ =	sdelay $0x3  }
0x36: {  	p1 =	seq.s32 s10, $0x1;
	s10 =	sld [smem:$0x3FB4];
	_ =	sdelay $0x3  }
0x37: {  	[smem:$0x3FB4] =	sst s10  }
0x38: {  	s10 =	sld [smem:$0x3FB5]  }
0x39: {  	_ = 	snop;
	(pc) =	sbr.ind lr, $3  }
0x3a: {  	_ = 	snop  }
0x3b: {  	_ = 	snop  }
0x3c: {  	p2 =	seq.s32 s10, $0x1;
	s10 =	sld [smem:$0x3FB4]  }
0x3d: {  	_ =	shalt  }
0x3e: {  	_ =	shalt  }
0x3f: {  	_ =	shalt  }
0x40: {  	_ =	shalt  }
0x41: {  	_ =	shalt  }
0x42: {  	_ =	shalt  }
0x43: {  	_ =	shalt  }
0x44: {  	_ =	shalt  }
0x45: {  	_ =	shalt  }
0x46: {  	_ =	shalt  }
0x47: {  	_ =	shalt  }
0x48: {  	_ =	shalt  }
0x49: {  	_ =	shalt  }
0x4a: {  	_ =	shalt  }
0x4b: {  	_ =	shalt  }
0x4c: {  	_ =	shalt  }
0x4d: {  	_ =	shalt  }
0x4e: {  	_ =	shalt  }
0x4f: {  	_ =	shalt  }
0x50: {  	_ =	shalt  }
0x51: {  	_ =	shalt  }
0x52: {  	_ =	shalt  }
0x53: {  	_ =	shalt  }
0x54: {  	_ =	shalt  }
0x55: {  	_ =	shalt  }
0x56: {  	_ =	shalt  }
0x57: {  	_ =	shalt  }
0x58: {  	_ =	shalt  }
0x59: {  	_ =	shalt  }
0x5a: {  	_ =	shalt  }
0x5b: {  	_ =	shalt  }
0x5c: {  	_ =	shalt  }
0x5d: {  	_ =	shalt  }
0x5e: {  	_ =	shalt  }
0x5f: {  	_ =	shalt  }
0x60: {  	_ =	shalt  }
0x61: {  	_ =	shalt  }
0x62: {  	_ =	shalt  }
0x63: {  	_ =	shalt  }
0x64: {  	_ =	shalt  }
0x65: {  	_ =	shalt  }
0x66: {  	_ =	shalt  }
0x67: {  	_ =	shalt  }
0x68: {  	_ =	shalt  }
0x69: {  	_ =	shalt  }
0x6a: {  	_ =	shalt  }
0x6b: {  	_ =	shalt  }
0x6c: {  	_ =	shalt  }
0x6d: {  	_ =	shalt  }
0x6e: {  	_ =	shalt  }
0x6f: {  	_ =	shalt  }
0x70: {  	_ =	shalt  }
0x71: {  	_ =	shalt  }
0x72: {  	_ =	shalt  }
0x73: {  	_ =	shalt  }
0x74: {  	_ =	shalt  }
0x75: {  	_ =	shalt  }
0x76: {  	_ =	shalt  }
0x77: {  	_ =	shalt  }
0x78: {  	_ =	shalt  }
0x79: {  	_ =	shalt  }
0x7a: {  	_ =	shalt  }
0x7b: {  	_ =	shalt  }
0x7c: {  	_ =	shalt  }
0x7d: {  	_ =	shalt  }
0x7e: {  	_ =	shalt  }
0x7f: {  	_ =	shalt  }
0x80: {  	_ =	shalt  }
0x81: {  	_ =	shalt  }
0x82: {  	_ =	shalt  }
0x83: {  	_ =	shalt  }
0x84: {  	_ =	shalt  }
0x85: {  	_ =	shalt  }
0x86: {  	_ =	shalt  }
0x87: {  	_ =	shalt  }
.Lfunc_end0:
.L_simem_size_0:
called_computation_lowered:
.L_overlay_start_0:
0x88: {  	s2 =	sld [smem:$0x3FD9]  }
0x89: {  	s3 =	sld [smem:$0x3FFE];
	_ =	sdelay $0x1  }
0x8a: {  	s1 =	srdreg.scid  }
0x8b: {  	s0 =	sand.u32 $0x1, s1  }
0x8c: {  	s17 =	sshll.u32 s0, $0xA;
	s2 =	sadd.s32 s3, s2  }
0x8d: {  	s2 =	sadd.s32 s2, s17  }
0x8e: {  	[smem:$0x3FC0] =	sst s2  }
0x8f: {  	_ = 	snop  }
0x90: {  	s2 =	sld [smem:$0x3FD0];
	(tm) =	ssettm $0x1  }
0x91: {  	s18 =	sld [smem:$0x3FFB];
	_ =	sdelay $0x3  }
0x92: {  	_ =	strace s18  }
0x93: {  	s3 =	sld [smem:$0x3FFC];
	_ =	sdelay $0x3  }
0x94: {  	_ =	strace s3  }
0x95: {  	s3 =	sld [smem:$0x3FFD];
	_ =	sdelay $0x3  }
0x96: {  	_ =	strace s3  }
0x97: {  	_ =	strace $0x8FFFFFFF  }
0x98: {  	s19 =	sld [smem:$0x3FDB];
	_ =	sdelay $0x1  }
0x99: {  	s4 =	simm.s32 $_scs_section_size  }
0x9a: {  	s5 =	simm.s32 $_size__tile_overlayer_lowered;
	s6 =	simm.s32 $_tile_overlayer_lowered  }
0x9b: {  	s22 =	simm.s32 $0x1BFF;
	s21 =	sshll.u32 s6, $0x1;
	s3 =	sadd.s32 s4, s19  }
0x9c: {  	s7 =	simm.s32 $0x0;
	s20 =	sshll.u32 s5, $0x1;
	s5 =	sadd.s32 s21, s3  }
0x9d: {  	[timem:s7], [sflag:s22] =	dma.local [hbm:s5], s20  }
0x9e: {  	_ =	swait.ge [sflag:s22], s20  }
0x9f: {  	s4 =	ssub.s32 $0x0, s20;
	[sflag:s22] =	ssyncset.done $0x0  }
0xa0: {  	[sflag:s22] =	ssyncadd.s32 s4;
	_ =	sdelay $0x1  }
0xa1: {  	s23 =	simm.s32 $0x1B8B  }
0xa2: {  	_ =	swait.ge [sflag:s23], $0x1  }
0xa3: {  	[sflag:s23] =	ssyncset.done $0x0  }
0xa4: {  	s25 =	simm.s32 $0x1B8E;
	s24 =	sld [smem:$0x3FFE];
	[sflag:s23] =	ssyncadd.s32 $0xFFFFFFFF  }
0xa5: {  	s26 =	simm.s32 $execute0_lowered;
	[smem:$0x3FD2] =	sst s25  }
0xa6: {  	s5 =	sshll.u32 s26, $0x1;
	_ =	strace $0x80000046;
	[dreg:$0x1] =	wrdreg $0xFFFFFFFF  }
0xa7: {  	s28 =	simm.s32 $_size_execute0_lowered;
	s3 =	sadd.s32 s3, s5;
	[dreg:$0x0] =	wrdreg $0x0  }
0xa8: {  	s5 =	sshll.u32 s28, $0x1;
	[dreg:$0x2] =	wrdreg s3  }
0xa9: {  	[dreg:$0x3] =	wrdreg s5  }
0xaa: {  	[dreg:$0x4] =	wrdreg $0xC0  }
0xab: {  	_ =	task [dreg:s7], $0x5FFFF  }
0xac: {  	[dreg:$0x1] =	wrdreg $0xFFFFFFFF  }
0xad: {  	[dreg:$0x0] =	wrdreg $0x60  }
0xae: {  	[dreg:$0x2] =	wrdreg s2  }
0xaf: {  	[dreg:$0x3] =	wrdreg s24  }
0xb0: {  	[dreg:$0x4] =	wrdreg $0xA8000  }
0xb1: {  	[dreg:$0x5] =	wrdreg $0x9  }
0xb2: {  	_ =	task.clear_ibuf [dreg:s7], $0x6FFFF;
	_ =	strace $0x90000046  }
0xb3: {  	s29 =	simm.s32 $0x9;
	_ =	strace $0x80000048  }
0xb4: {  	_ =	swait.ge [sflag:s29], $0x1  }
0xb5: {  	[sflag:s29] =	ssyncadd.s32 $0xFFFFFFFF  }
0xb6: {  	_ =	strace $0x90000048  }
0xb7: {  	_ =	sfence  }
0xb8: {  	s30 =	sld [smem:$0x0];
	_ =	sdelay $0x2  }
0xb9: {  	s31 =	sshll.u32 s1, $0xD;
	s1 =	sshrl.u32 s1, $0x2  }
0xba: {  	s3 =	sand.u32 $0x4000, s31;
	s1 =	sadd.s32 s1, s30  }
0xbb: {  	s0 =	sor.u32 s3, s0;
	s1 =	sshll.u32 s1, $0x11  }
0xbc: {  	s0 =	sor.u32 s1, s0  }
0xbd: {  	s0 =	sadd.s32 $0x8F2B, s0  }
0xbe: {  	[sflag:s0] =	ssyncadd.remote.s32 $0x1  }
0xbf: {  	_ =	sfence.sel $0xFFFF  }
0xc0: {  	[dreg:$0x0] =	wrdreg $0xFFFFFFFF;
	(pc) =	sbr.abs _section_cstart, $3  }
0xc1: {  	[dreg:$0x1] =	wrdreg $0xFFFFFFFF  }
0xc2: {  	_ =	task.clear_ibuf [dreg:s7], $0x2FFFF;
	_ =	strace $0x9FFFFFFF  }
0xc3: {  	(tm) =	ssettm $0x7FFFFFFF  }
tec
execute0_lowered:
.L_overlay_start_1:
0x0: {  	(tag) =	ssettag $0x1  }
0x1: {  	s1 =	rddreg [dreg:$0x0]  }
0x2: {  	s0 =	stileid.u32;
	s5 =	rddreg [dreg:$0x1]  }
0x3: {  	s2 =	srdreg.scid;
	s3 =	rddreg [dreg:$0x2];
	s4 =	simm.s32 $0x0  }
0x4: {  	s16 =	simm.s32 $0x2800;
	s17 =	simm.s32 $0x3;
	s18 =	simm.s32 $0x80  }
0x5: {  	s19 =	simm.s32 $0x400;
	s20 =	simm.s32 $0x1400;
	s6 =	smul.u32 $0x2800, s0  }
0x6: {  	s7 =	sand.u32 $0x1, s2;
	s2 =	rddreg [dreg:$0x3];
	s9 =	smul.u32 $0x14000, s0  }
0x7: {  	s21 =	simm.s32 $0x6800;
	[smem:$0x7FF] =	sst s4;
	s11 =	smul.u32 $0x50000, s0  }
0x8: {  	s22 =	sadd.s32 $0x1C00, s5;
	s12 =	sshrl.u32 s0, $0x3;
	s8 =	smul.u32 $0x140000, s7  }
0x9: {  	s14 =	sshll.u32 s0, $0x7;
	_ =	strace $0x80000047;
	s12 =	smul.u32 $0x14000, s12  }
0xa: {  	s25 =	ssub.s32 $0x2, s7;
	s26 =	sand.u32 $0x380, s14;
	s23 =	smul.u32 $0x2710, s7  }
0xb: {  	s6 =	sshrl.u32 s6, $0x3;
	s13 =	sshrl.u32 s25, $0x1;
	s28 =	sshrl.u32 s11, $0x2  }
0xc: {  	s8 =	sadd.s32 s9, s8;
	s10 =	sadd.s32 s6, s5;
	s13 =	ssub.s32 s25, s13  }
0xd: {  	s29 =	sor.u32 s26, s12;
	v0 =	vmov s23;
	s23 =	simm.s32 $0x2;
	s25 =	simm.s32 $0x2780  }
0xe: {  	s24 =	sshrl.u32 s8, $0x3;
	s30 =	sshrl.u32 s29, $0x3;
	s31 =	sadd.s32 $0xA000, s29  }
0xf: {  	s7 =	sadd.s32 $0x6C00, s10;
	s9 =	sadd.s32 $0x6E80, s10;
	s11 =	smax.u32 s13, $0x1  }
0x10: {  	s15 =	sadd.s32 s24, s5;
	s5 =	sadd.s32 s28, s3;
	s8 =	sshrl.u32 s31, $0x3  }
0x11: {  	s6 =	sadd.s32 s22, s30;
	s24 =	simm.s32 $0x2700;
	s8 =	sadd.s32 s22, s8  }
0x12: {  	s10 =	sadd.s32 $0xBC00, s15;
	s12 =	sadd.s32 $0x4000, s5;
	s13 =	sadd.s32 $0x8000, s5  }
0x13: {  	v1 =	vimm.f32 $0.0e+00;
	s14 =	sadd.s32 $0xC000, s5;
	s15 =	sadd.s32 $0x10000, s5;
	s22 =	simm.s32 $0x1  }
.LBB2_1:
0x14: {  	s26 =	simm.s32 $0x0;
	s28 =	simm.s32 $0x200  }
.LBB2_2:
0x15: {  	p0 =	sne.s32 s28, $0xFE00;
	[tilespmem:s26+$0x2870] =	vst v1  }
0x16: {  	[tilespmem:s26+$0x2800] =	vst v1  }
0x17: {  	[tilespmem:s26+$0x2810] =	vst v1  }
.Ltmp0:
0x18: {  	[tilespmem:s26+$0x2820] =	vst v1;
	(pc) =	sbr.rel @p0 .LBB2_2-.Ltmp0, $4  }
0x19: {  	[tilespmem:s26+$0x2830] =	vst v1  }
0x1a: {  	[tilespmem:s26+$0x2840] =	vst v1  }
0x1b: {  	[tilespmem:s26+$0x2850] =	vst v1  }
0x1c: {  	[tilespmem:s26+$0x2860] =	vst v1;
	s26 =	sshra.s32 s28, $0x2;
	s28 =	sadd.s32 $0x200, s28  }
0x1d: {  	[tilespmem:s26+$0x2870] =	vst v1  }
0x1e: {  	[tilespmem:s26+$0x2800] =	vst v1  }
0x1f: {  	[tilespmem:s26+$0x2810] =	vst v1  }
0x20: {  	[tilespmem:s26+$0x2820] =	vst v1  }
0x21: {  	[tilespmem:s26+$0x2830] =	vst v1  }
0x22: {  	[tilespmem:s26+$0x2840] =	vst v1  }
0x23: {  	[tilespmem:s26+$0x2850] =	vst v1  }
0x24: {  	[tilespmem:s26+$0x2860] =	vst v1  }
0x25: {  	[spmem:s5] =	stream.linear.scatter [tilespmem:s16], [sflag:$0x3], $0x4000, $0x38;
	[tilespmem:$0x1E800] =	vst v63  }
0x26: {  	_ =	swait.ge [sflag:s17], $0x4000  }
0x27: {  	[sflag:s17] =	ssyncset.done $0x0  }
0x28: {  	[sflag:s17] =	ssyncadd.s32 $0xFFFFC000  }
0x29: {  	[spmem:s12] =	stream.linear.scatter [tilespmem:s16], [sflag:$0x3], $0x4000, $0x38;
	[tilespmem:$0x1E800] =	vst v63  }
0x2a: {  	_ =	swait.ge [sflag:s17], $0x4000  }
0x2b: {  	[sflag:s17] =	ssyncset.done $0x0  }
0x2c: {  	[sflag:s17] =	ssyncadd.s32 $0xFFFFC000  }
0x2d: {  	[spmem:s13] =	stream.linear.scatter [tilespmem:s16], [sflag:$0x3], $0x4000, $0x38;
	[tilespmem:$0x1E800] =	vst v63  }
0x2e: {  	_ =	swait.ge [sflag:s17], $0x4000  }
0x2f: {  	[sflag:s17] =	ssyncset.done $0x0  }
0x30: {  	[sflag:s17] =	ssyncadd.s32 $0xFFFFC000  }
0x31: {  	[spmem:s14] =	stream.linear.scatter [tilespmem:s16], [sflag:$0x3], $0x4000, $0x38;
	[tilespmem:$0x1E800] =	vst v63  }
0x32: {  	_ =	swait.ge [sflag:s17], $0x4000  }
0x33: {  	[sflag:s17] =	ssyncset.done $0x0  }
0x34: {  	[sflag:s17] =	ssyncadd.s32 $0xFFFFC000  }
0x35: {  	[spmem:s15] =	stream.linear.scatter [tilespmem:s16], [sflag:$0x3], $0x4000, $0x38;
	[tilespmem:$0x1E800] =	vst v63  }
0x36: {  	_ =	swait.ge [sflag:s17], $0x4000  }
0x37: {  	[sflag:s17] =	ssyncset.done $0x0  }
0x38: {  	[sflag:s17] =	ssyncadd.s32 $0xFFFFC000  }
0x39: {  	s31 =	simm.s32 $0x0;
	[bflag:$0x0] =	sbarrier.arrive $0xFFFF  }
0x3a: {  	[tilespmem:s31], [sflag:$0x3] =	stream.strided.gather [hbm4b:s6+s18], $0x1400, s19, s18, $0x38;
	[tilespmem:$0x1E800] =	vst v63  }
0x3b: {  	_ =	swait.ge [sflag:s17], $0x1400  }
0x3c: {  	[sflag:s17] =	ssyncset.done $0x0  }
0x3d: {  	[sflag:s17] =	ssyncadd.s32 $0xFFFFEC00  }
0x3e: {  	[tilespmem:s20], [sflag:$0x3] =	stream.linear.gather [hbm4b:s7+s31], $0x1400, $0x38;
	[tilespmem:$0x1E800] =	vst v63  }
0x3f: {  	_ =	swait.ge [sflag:s17], $0x1400  }
0x40: {  	[sflag:s17] =	ssyncset.done $0x0  }
0x41: {  	s26 =	simm.s32 $0x0;
	s28 =	simm.s32 $0x40;
	[sflag:s17] =	ssyncadd.s32 $0xFFFFEC00  }
.LBB2_4:
0x42: {  	p0 =	sne.s32 s28, $0x4FC0;
	v2 =	vld [tilespmem:s26+$0x0];
	_ =	sdelay $0x1  }
.Ltmp1:
0x43: {  	(pc) =	sbr.rel @p0 .LBB2_4-.Ltmp1, $3  }
0x44: {  	_ =	sdelay $0x1  }
0x45: {  	v2 =	vadd.s32 v0, v2  }
0x46: {  	[tilespmem:s26+$0x0] =	vst v2;
	s26 =	sshra.s32 s28, $0x2;
	s28 =	sadd.s32 $0x40, s28  }
0x47: {  	v2 =	vld [tilespmem:s26+$0x0];
	_ =	sdelay $0x4  }
0x48: {  	v2 =	vadd.s32 v0, v2  }
0x49: {  	s31 =	simm.s32 $0x0;
	[tilespmem:s26+$0x0] =	vst v2  }
0x4a: {  	[tilespmem:s16], [sflag:$0x1] =	stream.indirect.gather [hbm4b:s1+s18], $0x80, s31, s18, $0xb8;
	[tilespmem:$0x1E800] =	vst v63  }
0x4b: {  	_ = 	snop  }
0x4c: {  	[tilespmem:s21], [sflag:$0x2] =	stream.indirect.gather [hbm4b:s1+s18], $0x80, s18, s18, $0xb8;
	[tilespmem:$0x1E800] =	vst v63  }
0x4d: {  	_ =	swait.ge [sflag:s22], $0x4000  }
0x4e: {  	[sflag:s22] =	ssyncset.done $0x0  }
0x4f: {  	s28 =	simm.s32 $0x100;
	[sflag:s22] =	ssyncadd.s32 $0xFFFFC000  }
0x50: {  	[tilespmem:s16], [sflag:$0x1] =	stream.indirect.gather [hbm4b:s1+s18], $0x80, s28, s18, $0xb8;
	[tilespmem:$0x1E800] =	vst v63  }
0x51: {  	s29 =	simm.s32 $0x1400  }
0x52: {  	[spmem:s3] =	stream.indirect.scatter.add.f32 [tilespmem:s16], [sflag:$0x3], $0x80, s29, s18, $0xb8;
	[tilespmem:$0x1E800] =	vst v63  }
0x53: {  	_ =	swait.ge [sflag:s17], $0x4000  }
0x54: {  	[sflag:s17] =	ssyncset.done $0x0  }
0x55: {  	[sflag:s17] =	ssyncadd.s32 $0xFFFFC000  }
0x56: {  	_ =	swait.ge [sflag:s23], $0x4000  }
0x57: {  	[sflag:s23] =	ssyncset.done $0x0  }
0x58: {  	s30 =	simm.s32 $0x180;
	[sflag:s23] =	ssyncadd.s32 $0xFFFFC000  }
0x59: {  	[tilespmem:s21], [sflag:$0x2] =	stream.indirect.gather [hbm4b:s1+s18], $0x80, s30, s18, $0xb8;
	[tilespmem:$0x1E800] =	vst v63  }
0x5a: {  	s31 =	simm.s32 $0x1480  }
0x5b: {  	[spmem:s3] =	stream.indirect.scatter.add.f32 [tilespmem:s21], [sflag:$0x3], $0x80, s31, s18, $0xb8;
	[tilespmem:$0x1E800] =	vst v63  }
0x5c: {  	_ =	swait.ge [sflag:s17], $0x4000  }
0x5d: {  	s26 =	simm.s32 $0x400;
	[sflag:s17] =	ssyncset.done $0x0  }
.LBB2_6:
0x5e: {  	p0 =	sne.s32 s26, $0x4800  }
0x5f: {  	[sflag:s17] =	ssyncadd.s32 $0xFFFFC000;
	s28 =	smov.u32 s26;
	s26 =	sadd.s32 $0x400, s26  }
0x60: {  	_ = 	snop  }
0x61: {  	_ =	swait.ge [sflag:s22], $0x4000  }
0x62: {  	s28 =	sshra.s32 s28, $0x2;
	[sflag:s22] =	ssyncset.done $0x0  }
0x63: {  	s29 =	sadd.s32 $0x100, s28;
	[sflag:s22] =	ssyncadd.s32 $0xFFFFC000  }
0x64: {  	[tilespmem:s16], [sflag:$0x1] =	stream.indirect.gather [hbm4b:s1+s18], $0x80, s29, s18, $0xb8;
	[tilespmem:$0x1E800] =	vst v63  }
0x65: {  	s29 =	sadd.s32 $0x1400, s28  }
0x66: {  	[spmem:s3] =	stream.indirect.scatter.add.f32 [tilespmem:s16], [sflag:$0x3], $0x80, s29, s18, $0xb8;
	[tilespmem:$0x1E800] =	vst v63  }
0x67: {  	_ =	swait.ge [sflag:s17], $0x4000  }
0x68: {  	[sflag:s17] =	ssyncset.done $0x0  }
0x69: {  	[sflag:s17] =	ssyncadd.s32 $0xFFFFC000  }
0x6a: {  	_ =	swait.ge [sflag:s23], $0x4000  }
0x6b: {  	[sflag:s23] =	ssyncset.done $0x0  }
0x6c: {  	s29 =	sadd.s32 $0x180, s28;
	[sflag:s23] =	ssyncadd.s32 $0xFFFFC000  }
0x6d: {  	[tilespmem:s21], [sflag:$0x2] =	stream.indirect.gather [hbm4b:s1+s18], $0x80, s29, s18, $0xb8;
	[tilespmem:$0x1E800] =	vst v63  }
.Ltmp2:
0x6e: {  	_ = 	snop;
	(pc) =	sbr.rel @p0 .LBB2_6-.Ltmp2, $4  }
0x6f: {  	s28 =	sadd.s32 $0x1480, s28  }
0x70: {  	[spmem:s3] =	stream.indirect.scatter.add.f32 [tilespmem:s21], [sflag:$0x3], $0x80, s28, s18, $0xb8;
	[tilespmem:$0x1E800] =	vst v63  }
0x71: {  	_ =	swait.ge [sflag:s17], $0x4000  }
0x72: {  	[sflag:s17] =	ssyncset.done $0x0  }
0x73: {  	[sflag:s17] =	ssyncadd.s32 $0xFFFFC000  }
0x74: {  	_ =	swait.ge [sflag:s22], $0x4000  }
0x75: {  	[sflag:s22] =	ssyncset.done $0x0  }
0x76: {  	[sflag:s22] =	ssyncadd.s32 $0xFFFFC000  }
0x77: {  	[spmem:s3] =	stream.indirect.scatter.add.f32 [tilespmem:s16], [sflag:$0x3], $0x80, s24, s18, $0xb8;
	[tilespmem:$0x1E800] =	vst v63  }
0x78: {  	_ =	swait.ge [sflag:s17], $0x4000  }
0x79: {  	[sflag:s17] =	ssyncset.done $0x0  }
0x7a: {  	[sflag:s17] =	ssyncadd.s32 $0xFFFFC000  }
0x7b: {  	_ =	swait.ge [sflag:s23], $0x4000  }
0x7c: {  	[sflag:s23] =	ssyncset.done $0x0  }
0x7d: {  	[sflag:s23] =	ssyncadd.s32 $0xFFFFC000  }
0x7e: {  	[spmem:s3] =	stream.indirect.scatter.add.f32 [tilespmem:s21], [sflag:$0x3], $0x80, s25, s18, $0xb8;
	[tilespmem:$0x1E800] =	vst v63  }
0x7f: {  	_ =	swait.ge [sflag:s17], $0x4000  }
0x80: {  	[sflag:s17] =	ssyncset.done $0x0  }
0x81: {  	s26 =	simm.s32 $0x0;
	[sflag:s17] =	ssyncadd.s32 $0xFFFFC000  }
0x82: {  	[tilespmem:s26], [sflag:$0x3] =	stream.strided.gather [hbm4b:s8+s18], $0x1400, s19, s18, $0x38;
	[tilespmem:$0x1E800] =	vst v63  }
0x83: {  	_ =	swait.ge [sflag:s17], $0x1400  }
0x84: {  	[sflag:s17] =	ssyncset.done $0x0  }
0x85: {  	[sflag:s17] =	ssyncadd.s32 $0xFFFFEC00  }
0x86: {  	[tilespmem:s20], [sflag:$0x3] =	stream.linear.gather [hbm4b:s9+s26], $0x1400, $0x38;
	[tilespmem:$0x1E800] =	vst v63  }
0x87: {  	_ =	swait.ge [sflag:s17], $0x1400  }
0x88: {  	[sflag:s17] =	ssyncset.done $0x0  }
0x89: {  	s28 =	simm.s32 $0x40;
	s26 =	simm.s32 $0x0;
	[sflag:s17] =	ssyncadd.s32 $0xFFFFEC00  }
.LBB2_8:
0x8a: {  	p0 =	sne.s32 s28, $0x4FC0;
	v2 =	vld [tilespmem:s26+$0x0];
	_ =	sdelay $0x1  }
.Ltmp3:
0x8b: {  	(pc) =	sbr.rel @p0 .LBB2_8-.Ltmp3, $3  }
0x8c: {  	_ =	sdelay $0x1  }
0x8d: {  	v2 =	vadd.s32 v0, v2  }
0x8e: {  	[tilespmem:s26+$0x0] =	vst v2;
	s26 =	sshra.s32 s28, $0x2;
	s28 =	sadd.s32 $0x40, s28  }
0x8f: {  	v2 =	vld [tilespmem:s26+$0x0];
	_ =	sdelay $0x4  }
0x90: {  	v2 =	vadd.s32 v0, v2  }
0x91: {  	s31 =	simm.s32 $0x0;
	[tilespmem:s26+$0x0] =	vst v2  }
0x92: {  	[tilespmem:s16], [sflag:$0x1] =	stream.indirect.gather [hbm4b:s1+s18], $0x80, s31, s18, $0xb8;
	[tilespmem:$0x1E800] =	vst v63  }
0x93: {  	_ = 	snop  }
0x94: {  	[tilespmem:s21], [sflag:$0x2] =	stream.indirect.gather [hbm4b:s1+s18], $0x80, s18, s18, $0xb8;
	[tilespmem:$0x1E800] =	vst v63  }
0x95: {  	_ =	swait.ge [sflag:s22], $0x4000  }
0x96: {  	[sflag:s22] =	ssyncset.done $0x0  }
0x97: {  	s28 =	simm.s32 $0x100;
	[sflag:s22] =	ssyncadd.s32 $0xFFFFC000  }
0x98: {  	[tilespmem:s16], [sflag:$0x1] =	stream.indirect.gather [hbm4b:s1+s18], $0x80, s28, s18, $0xb8;
	[tilespmem:$0x1E800] =	vst v63  }
0x99: {  	s29 =	simm.s32 $0x1400  }
0x9a: {  	[spmem:s3] =	stream.indirect.scatter.add.f32 [tilespmem:s16], [sflag:$0x3], $0x80, s29, s18, $0xb8;
	[tilespmem:$0x1E800] =	vst v63  }
0x9b: {  	_ =	swait.ge [sflag:s17], $0x4000  }
0x9c: {  	[sflag:s17] =	ssyncset.done $0x0  }
0x9d: {  	[sflag:s17] =	ssyncadd.s32 $0xFFFFC000  }
0x9e: {  	_ =	swait.ge [sflag:s23], $0x4000  }
0x9f: {  	[sflag:s23] =	ssyncset.done $0x0  }
0xa0: {  	s30 =	simm.s32 $0x180;
	[sflag:s23] =	ssyncadd.s32 $0xFFFFC000  }
0xa1: {  	[tilespmem:s21], [sflag:$0x2] =	stream.indirect.gather [hbm4b:s1+s18], $0x80, s30, s18, $0xb8;
	[tilespmem:$0x1E800] =	vst v63  }
0xa2: {  	s31 =	simm.s32 $0x1480  }
0xa3: {  	[spmem:s3] =	stream.indirect.scatter.add.f32 [tilespmem:s21], [sflag:$0x3], $0x80, s31, s18, $0xb8;
	[tilespmem:$0x1E800] =	vst v63  }
0xa4: {  	_ =	swait.ge [sflag:s17], $0x4000  }
0xa5: {  	s26 =	simm.s32 $0x400;
	[sflag:s17] =	ssyncset.done $0x0  }
.LBB2_10:
0xa6: {  	p0 =	sne.s32 s26, $0x4800  }
0xa7: {  	[sflag:s17] =	ssyncadd.s32 $0xFFFFC000;
	s28 =	smov.u32 s26;
	s26 =	sadd.s32 $0x400, s26  }
0xa8: {  	_ = 	snop  }
0xa9: {  	_ =	swait.ge [sflag:s22], $0x4000  }
0xaa: {  	s28 =	sshra.s32 s28, $0x2;
	[sflag:s22] =	ssyncset.done $0x0  }
0xab: {  	s29 =	sadd.s32 $0x100, s28;
	[sflag:s22] =	ssyncadd.s32 $0xFFFFC000  }
0xac: {  	[tilespmem:s16], [sflag:$0x1] =	stream.indirect.gather [hbm4b:s1+s18], $0x80, s29, s18, $0xb8;
	[tilespmem:$0x1E800] =	vst v63  }
0xad: {  	s29 =	sadd.s32 $0x1400, s28  }
0xae: {  	[spmem:s3] =	stream.indirect.scatter.add.f32 [tilespmem:s16], [sflag:$0x3], $0x80, s29, s18, $0xb8;
	[tilespmem:$0x1E800] =	vst v63  }
0xaf: {  	_ =	swait.ge [sflag:s17], $0x4000  }
0xb0: {  	[sflag:s17] =	ssyncset.done $0x0  }
0xb1: {  	[sflag:s17] =	ssyncadd.s32 $0xFFFFC000  }
0xb2: {  	_ =	swait.ge [sflag:s23], $0x4000  }
0xb3: {  	[sflag:s23] =	ssyncset.done $0x0  }
0xb4: {  	s29 =	sadd.s32 $0x180, s28;
	[sflag:s23] =	ssyncadd.s32 $0xFFFFC000  }
0xb5: {  	[tilespmem:s21], [sflag:$0x2] =	stream.indirect.gather [hbm4b:s1+s18], $0x80, s29, s18, $0xb8;
	[tilespmem:$0x1E800] =	vst v63  }
.Ltmp4:
0xb6: {  	_ = 	snop;
	(pc) =	sbr.rel @p0 .LBB2_10-.Ltmp4, $4  }
0xb7: {  	s28 =	sadd.s32 $0x1480, s28  }
0xb8: {  	[spmem:s3] =	stream.indirect.scatter.add.f32 [tilespmem:s21], [sflag:$0x3], $0x80, s28, s18, $0xb8;
	[tilespmem:$0x1E800] =	vst v63  }
0xb9: {  	_ =	swait.ge [sflag:s17], $0x4000  }
0xba: {  	[sflag:s17] =	ssyncset.done $0x0  }
0xbb: {  	[sflag:s17] =	ssyncadd.s32 $0xFFFFC000  }
0xbc: {  	_ =	swait.ge [sflag:s22], $0x4000  }
0xbd: {  	[sflag:s22] =	ssyncset.done $0x0  }
0xbe: {  	[sflag:s22] =	ssyncadd.s32 $0xFFFFC000  }
0xbf: {  	[spmem:s3] =	stream.indirect.scatter.add.f32 [tilespmem:s16], [sflag:$0x3], $0x80, s24, s18, $0xb8;
	[tilespmem:$0x1E800] =	vst v63  }
0xc0: {  	_ =	swait.ge [sflag:s17], $0x4000  }
0xc1: {  	[sflag:s17] =	ssyncset.done $0x0  }
0xc2: {  	[sflag:s17] =	ssyncadd.s32 $0xFFFFC000  }
0xc3: {  	_ =	swait.ge [sflag:s23], $0x4000  }
0xc4: {  	[sflag:s23] =	ssyncset.done $0x0  }
0xc5: {  	[sflag:s23] =	ssyncadd.s32 $0xFFFFC000  }
0xc6: {  	[spmem:s3] =	stream.indirect.scatter.add.f32 [tilespmem:s21], [sflag:$0x3], $0x80, s25, s18, $0xb8;
	[tilespmem:$0x1E800] =	vst v63  }
0xc7: {  	_ =	swait.ge [sflag:s17], $0x4000  }
0xc8: {  	s26 =	sshll.u32 s0, $0x6;
	s4 =	sadd.s32 $0x1, s4;
	[sflag:s17] =	ssyncset.done $0x0  }
0xc9: {  	s28 =	sshrl.u32 s5, $0x3;
	p0 =	sne.s32 s4, s11;
	[sflag:s17] =	ssyncadd.s32 $0xFFFFC000  }
.Ltmp5:
0xca: {  	s26 =	sor.u32 $0x1C03, s26;
	[bflag:$0x0] =	sbarrier.arrive $0xFFFF;
	(pc) =	sbr.rel @p0 .LBB2_1-.Ltmp5, $4  }
0xcb: {  	[hbm:s10], [sflag:s26] =	dma.local [spmem:s28], $0x2800  }
0xcc: {  	_ =	swait.ge [sflag:s17], $0x2800  }
0xcd: {  	[sflag:s17] =	ssyncset.done $0x0  }
0xce: {  	[sflag:s17] =	ssyncadd.s32 $0xFFFFD800  }
0xcf: {  	_ =	sfence.sel $0x180000  }
0xd0: {  	[bflag:$0x0] =	sbarrier.arrive $0xFFFF  }
0xd1: {  	p0 =	sne.s32 s0, $0x0;
	_ =	strace $0x90000047  }
0xd2: {  	s0 =	sadd.s32 @!p0 $0x100000, s2;
	[bflag:$0x2] =	sbarrier.arrive $0xFFFF  }
0xd3: {  	[sflag:s0] =	ssyncadd.tile.s32 @!p0 $0x1;
	_ =	shalt  }
.Lfunc_end2:
_tile_overlayer_lowered:
.L_overlay_start_2:
0xd4: {  	(tag) =	ssettag $0x2  }
0xd5: {  	s0 =	rddreg [dreg:$0x0];
	s2 =	stileid.u32  }
0xd6: {  	s1 =	rddreg [dreg:$0x1];
	p0 =	sne.s32 s2, $0x0  }
0xd7: {  	s3 =	rddreg [dreg:$0x2];
	[bflag:$0x3] =	sbarrier.arrive $0xFFFF;
	s2 =	simm.s32 @!p0 $0x1C03  }
0xd8: {  	[timem:s3], [sflag:s2] =	dma.local @!p0 [hbm:s0], s1  }
0xd9: {  	s0 =	simm.s32 @!p0 $0x3  }
0xda: {  	_ =	swait.ge @!p0 [sflag:s0], s1  }
0xdb: {  	s1 =	ssub.s32 @!p0 $0x0, s1;
	[sflag:s0] =	ssyncset.done @!p0 $0x0  }
0xdc: {  	[sflag:s0] =	ssyncadd.s32 @!p0 s1  }
0xdd: {  	[bflag:$0x3] =	sbarrier.arrive $0xFFFF  }
0xde: {  	_ =	shalt  }

// kernel: kernel.8.cloned.1.call-start
scs
__scs_entry_jumppad:
0x0: {  	(pc) =	sbr.rel $0x88, $3  }
0x1: {  	(tag) =	ssettag $0x0;
	lr =	simm.s32 $0x1  }
0x2: {  	[smem:$0x3F99] =	sst lr;
	_ =	strace $0xD0000000  }
0x3: {  	_ = 	snop  }
0x4: {  	_ = 	snop  }
0x5: {  	_ = 	snop  }
0x6: {  	_ = 	snop  }
0x7: {  	_ = 	snop  }
__scs_overlays_trampoline_lowered:
0x8: {  	[smem:$0x3FA8] =	sst s0  }
0x9: {  	[smem:$0x3FA9] =	sst s1  }
0xa: {  	[smem:$0x3FAA] =	sst s2  }
0xb: {  	[smem:$0x3FAB] =	sst s3  }
0xc: {  	[smem:$0x3FAC] =	sst s4  }
0xd: {  	[smem:$0x3FAD] =	sst s5  }
0xe: {  	[smem:$0x3FAE] =	sst s6  }
0xf: {  	[smem:$0x3FAF] =	sst s7  }
0x10: {  	[smem:$0x3FB0] =	sst s8  }
0x11: {  	[smem:$0x3FB1] =	sst s9;
	s0 =	simm.s32 @!p0 $0x0  }
0x12: {  	s1 =	sld [smem:$0x3F97];
	s0 =	simm.s32 @p0 $0x1  }
0x13: {  	[smem:$0x3FB2] =	sst s0;
	s0 =	simm.s32 @!p1 $0x0  }
0x14: {  	s2 =	sld [smem:$0x3F96];
	s0 =	simm.s32 @p1 $0x1  }
0x15: {  	[smem:$0x3FB3] =	sst s0;
	s0 =	simm.s32 @!p2 $0x0  }
0x16: {  	s3 =	sld [smem:$0x3FDB];
	s0 =	simm.s32 @p2 $0x1  }
0x17: {  	s4 =	simm.s32 $0x1BF5;
	[smem:$0x3FB5] =	sst s0  }
0x18: {  	s0 =	sld [smem:$0x3F98];
	_ =	swait.ge [sflag:s4], $0x0  }
0x19: {  	s7 =	sld [smem:$0x3F99]  }
0x1a: {  	s8 =	sadd.s32 $0xFFFFE003, lr  }
0x1b: {  	s9 =	sadd.s32 $0xFFFFFEF7, lr;
	s5 =	simm.s32 $0xFFFFFFFF;
	p2 =	slt.u32 s8, $0xFFFFF086  }
0x1c: {  	p1 =	slt.u32 s9, $0xF7A;
	s5 =	simm.s32 @!p2 $0x0  }
0x1d: {  	s5 =	simm.s32 @p1 $0x1;
	p0 =	seq.s32 s7, s2  }
0x1e: {  	s7 =	smul.u32 @!p0 $0xF7A, s2;
	p2 =	seq.s32 @!p0 s5, $0x0  }
0x1f: {  	s9 =	smul.u32 $0xF7A, s1;
	s8 =	simm.s32 @!p0 $0x1BF5;
	p2 =	por !p2, p0  }
0x20: {  	[sflag:s8] =	ssyncset.s32 @!p0 $0xFFFFF086;
	s6 =	sadd.s32 @!p0 s3, s7;
	s7 =	simm.s32 @!p0 $0x108  }
0x21: {  	s3 =	sadd.s32 s3, s9;
	s6 =	sadd.s32 @!p0 $0x88, s6;
	s7 =	simm.s32 @p2 $0x1082  }
0x22: {  	[simem:s7], [sflag:s8] =	dma.local @!p0 [hbm:s6], $0xF7A  }
0x23: {  	s9 =	sor.u32 $0xD0000000, s2;
	s6 =	simm.s32 $0x108;
	_ =	swait.ge @!p0 [sflag:s8], $0x0  }
0x24: {  	s3 =	sadd.s32 $0x88, s3;
	s6 =	simm.s32 @!p1 $0x1082;
	[sflag:s4] =	ssyncset.s32 $0xFFFFF086  }
0x25: {  	[simem:s6], [sflag:s4] =	dma.local [hbm:s3], $0xF7A  }
0x26: {  	[smem:$0x3F99] =	sst s1;
	(tag) =	ssettag s2;
	_ =	strace s9  }
0x27: {  	s1 =	sld [smem:$0x3FA9]  }
0x28: {  	s2 =	sld [smem:$0x3FAA]  }
0x29: {  	s4 =	sld [smem:$0x3FAC]  }
0x2a: {  	p0 =	seq.s32 s5, $0x0;
	s5 =	sld [smem:$0x3FAD]  }
0x2b: {  	s6 =	sld [smem:$0x3FAE]  }
0x2c: {  	s7 =	sld [smem:$0x3FAF]  }
0x2d: {  	s3 =	simm.s32 $0x108;
	s8 =	sld [smem:$0x3FB0]  }
0x2e: {  	s3 =	simm.s32 @!p0 $0x1082;
	s9 =	sld [smem:$0x3FB1]  }
0x2f: {  	lr =	sadd.s32 s0, s3;
	s0 =	sld [smem:$0x3FA8]  }
0x30: {  	s3 =	sld [smem:$0x3FAB]  }
0x31: {  	[smem:$0x3FB4] =	sst s10  }
0x32: {  	s10 =	sld [smem:$0x3FB2];
	_ =	sdelay $0x3  }
0x33: {  	p0 =	seq.s32 s10, $0x1;
	s10 =	sld [smem:$0x3FB4];
	_ =	sdelay $0x3  }
0x34: {  	[smem:$0x3FB4] =	sst s10  }
0x35: {  	s10 =	sld [smem:$0x3FB3];
	_ =	sdelay $0x3  }
0x36: {  	p1 =	seq.s32 s10, $0x1;
	s10 =	sld [smem:$0x3FB4];
	_ =	sdelay $0x3  }
0x37: {  	[smem:$0x3FB4] =	sst s10  }
0x38: {  	s10 =	sld [smem:$0x3FB5]  }
0x39: {  	_ = 	snop;
	(pc) =	sbr.ind lr, $3  }
0x3a: {  	_ = 	snop  }
0x3b: {  	_ = 	snop  }
0x3c: {  	p2 =	seq.s32 s10, $0x1;
	s10 =	sld [smem:$0x3FB4]  }
0x3d: {  	_ =	shalt  }
0x3e: {  	_ =	shalt  }
0x3f: {  	_ =	shalt  }
0x40: {  	_ =	shalt  }
0x41: {  	_ =	shalt  }
0x42: {  	_ =	shalt  }
0x43: {  	_ =	shalt  }
0x44: {  	_ =	shalt  }
0x45: {  	_ =	shalt  }
0x46: {  	_ =	shalt  }
0x47: {  	_ =	shalt  }
0x48: {  	_ =	shalt  }
0x49: {  	_ =	shalt  }
0x4a: {  	_ =	shalt  }
0x4b: {  	_ =	shalt  }
0x4c: {  	_ =	shalt  }
0x4d: {  	_ =	shalt  }
0x4e: {  	_ =	shalt  }
0x4f: {  	_ =	shalt  }
0x50: {  	_ =	shalt  }
0x51: {  	_ =	shalt  }
0x52: {  	_ =	shalt  }
0x53: {  	_ =	shalt  }
0x54: {  	_ =	shalt  }
0x55: {  	_ =	shalt  }
0x56: {  	_ =	shalt  }
0x57: {  	_ =	shalt  }
0x58: {  	_ =	shalt  }
0x59: {  	_ =	shalt  }
0x5a: {  	_ =	shalt  }
0x5b: {  	_ =	shalt  }
0x5c: {  	_ =	shalt  }
0x5d: {  	_ =	shalt  }
0x5e: {  	_ =	shalt  }
0x5f: {  	_ =	shalt  }
0x60: {  	_ =	shalt  }
0x61: {  	_ =	shalt  }
0x62: {  	_ =	shalt  }
0x63: {  	_ =	shalt  }
0x64: {  	_ =	shalt  }
0x65: {  	_ =	shalt  }
0x66: {  	_ =	shalt  }
0x67: {  	_ =	shalt  }
0x68: {  	_ =	shalt  }
0x69: {  	_ =	shalt  }
0x6a: {  	_ =	shalt  }
0x6b: {  	_ =	shalt  }
0x6c: {  	_ =	shalt  }
0x6d: {  	_ =	shalt  }
0x6e: {  	_ =	shalt  }
0x6f: {  	_ =	shalt  }
0x70: {  	_ =	shalt  }
0x71: {  	_ =	shalt  }
0x72: {  	_ =	shalt  }
0x73: {  	_ =	shalt  }
0x74: {  	_ =	shalt  }
0x75: {  	_ =	shalt  }
0x76: {  	_ =	shalt  }
0x77: {  	_ =	shalt  }
0x78: {  	_ =	shalt  }
0x79: {  	_ =	shalt  }
0x7a: {  	_ =	shalt  }
0x7b: {  	_ =	shalt  }
0x7c: {  	_ =	shalt  }
0x7d: {  	_ =	shalt  }
0x7e: {  	_ =	shalt  }
0x7f: {  	_ =	shalt  }
0x80: {  	_ =	shalt  }
0x81: {  	_ =	shalt  }
0x82: {  	_ =	shalt  }
0x83: {  	_ =	shalt  }
0x84: {  	_ =	shalt  }
0x85: {  	_ =	shalt  }
0x86: {  	_ =	shalt  }
0x87: {  	_ =	shalt  }
.Lfunc_end0:
.L_simem_size_0:
called_computation.1_lowered:
.L_overlay_start_0:
0x88: {  	s2 =	sld [smem:$0x3FD9]  }
0x89: {  	s3 =	sld [smem:$0x3FFE];
	_ =	sdelay $0x1  }
0x8a: {  	s1 =	srdreg.scid  }
0x8b: {  	s0 =	sand.u32 $0x1, s1  }
0x8c: {  	s17 =	sshll.u32 s0, $0xA;
	s2 =	sadd.s32 s3, s2  }
0x8d: {  	s2 =	sadd.s32 s2, s17  }
0x8e: {  	[smem:$0x3FC0] =	sst s2  }
0x8f: {  	_ = 	snop  }
0x90: {  	(tm) =	ssettm $0x1  }
0x91: {  	s18 =	sld [smem:$0x3FFB];
	_ =	sdelay $0x3  }
0x92: {  	_ =	strace s18  }
0x93: {  	s2 =	sld [smem:$0x3FFC];
	_ =	sdelay $0x3  }
0x94: {  	_ =	strace s2  }
0x95: {  	s2 =	sld [smem:$0x3FFD];
	_ =	sdelay $0x3  }
0x96: {  	_ =	strace s2  }
0x97: {  	_ =	strace $0x8FFFFFFF  }
0x98: {  	s19 =	sld [smem:$0x3FDB];
	_ =	sdelay $0x1  }
0x99: {  	s20 =	simm.s32 $_scs_section_size  }
0x9a: {  	s4 =	simm.s32 $_size__tile_overlayer_lowered;
	s5 =	simm.s32 $_tile_overlayer_lowered  }
0x9b: {  	s6 =	simm.s32 $0x1BFF;
	s21 =	sshll.u32 s5, $0x1;
	s3 =	sadd.s32 s20, s19  }
0x9c: {  	s22 =	simm.s32 $0x0;
	s4 =	sshll.u32 s4, $0x1;
	s5 =	sadd.s32 s21, s3  }
0x9d: {  	[timem:s22], [sflag:s6] =	dma.local [hbm:s5], s4  }
0x9e: {  	_ =	swait.ge [sflag:s6], s4  }
0x9f: {  	s4 =	ssub.s32 $0x0, s4;
	[sflag:s6] =	ssyncset.done $0x0  }
0xa0: {  	[sflag:s6] =	ssyncadd.s32 s4;
	_ =	sdelay $0x1  }
0xa1: {  	s23 =	simm.s32 $0x1B8B  }
0xa2: {  	_ =	swait.ge [sflag:s23], $0x1  }
0xa3: {  	[sflag:s23] =	ssyncset.done $0x0  }
0xa4: {  	[sflag:s23] =	ssyncadd.s32 $0xFFFFFFFF  }
0xa5: {  	s4 =	sld [smem:$0x0]  }
0xa6: {  	s5 =	sand.u32 $0xFFFFFFFE, s1  }
0xa7: {  	p0 =	sne.s32 s1, s5  }
0xa8: {  	s5 =	sshll.u32 @p0 s5, $0xE  }
0xa9: {  	s5 =	sadd.s32 @p0 $0x11B8D, s5;
	s6 =	sshll.u32 @p0 s4, $0x11  }
0xaa: {  	s5 =	sor.u32 @p0 s6, s5  }
0xab: {  	[sflag:s5] =	ssyncadd.remote.s32 @p0 $0x1;
	_ =	sdelay $0x1  }
0xac: {  	s5 =	simm.s32 @p0 $0x1B8D  }
0xad: {  	_ =	swait.eq @p0 [sflag:s5], $0x1  }
0xae: {  	[sflag:s5] =	ssyncadd.s32 @p0 $0xFFFFFFFF  }
0xaf: {  	s6 =	sshll.u32 @!p0 s1, $0xE  }
0xb0: {  	s6 =	sor.u32 @!p0 $0x4000, s6;
	s5 =	simm.s32 @!p0 $0x1B8D  }
0xb1: {  	s4 =	sshll.u32 @!p0 s4, $0x11;
	s6 =	sadd.s32 @!p0 $0x11B8D, s6;
	_ =	swait.eq @!p0 [sflag:s5], $0x1  }
0xb2: {  	s4 =	sor.u32 @!p0 s4, s6;
	[sflag:s5] =	ssyncadd.s32 @!p0 $0xFFFFFFFF  }
0xb3: {  	s25 =	simm.s32 $0x1B8E;
	s24 =	sld [smem:$0x3FFE];
	[sflag:s4] =	ssyncadd.remote.s32 @!p0 $0x1  }
0xb4: {  	s26 =	simm.s32 $execute0_lowered;
	[smem:$0x3FD2] =	sst s25  }
0xb5: {  	s5 =	sshll.u32 s26, $0x1;
	_ =	strace $0x80000049;
	[dreg:$0x1] =	wrdreg $0xFFFFFFFF  }
0xb6: {  	s28 =	simm.s32 $_size_execute0_lowered;
	s3 =	sadd.s32 s3, s5;
	[dreg:$0x0] =	wrdreg $0x0  }
0xb7: {  	s5 =	sshll.u32 s28, $0x1;
	[dreg:$0x2] =	wrdreg s3  }
0xb8: {  	[dreg:$0x3] =	wrdreg s5  }
0xb9: {  	[dreg:$0x4] =	wrdreg $0xC0  }
0xba: {  	_ =	task [dreg:s22], $0x5FFFF  }
0xbb: {  	[dreg:$0x1] =	wrdreg $0xFFFFFFFF  }
0xbc: {  	[dreg:$0x0] =	wrdreg $0x60  }
0xbd: {  	[dreg:$0x2] =	wrdreg s24  }
0xbe: {  	[dreg:$0x3] =	wrdreg $0x5C000  }
0xbf: {  	[dreg:$0x4] =	wrdreg $0xA  }
0xc0: {  	_ =	task.clear_ibuf [dreg:s22], $0x5FFFF;
	_ =	strace $0x90000049  }
0xc1: {  	s29 =	simm.s32 $0xA;
	_ =	strace $0x8000004B  }
0xc2: {  	_ =	swait.ge [sflag:s29], $0x1  }
0xc3: {  	[sflag:s29] =	ssyncadd.s32 $0xFFFFFFFF  }
0xc4: {  	_ =	strace $0x9000004B  }
0xc5: {  	_ =	sfence  }
0xc6: {  	s30 =	sld [smem:$0x0];
	_ =	sdelay $0x2  }
0xc7: {  	s31 =	sshll.u32 s1, $0xD;
	s1 =	sshrl.u32 s1, $0x2  }
0xc8: {  	s4 =	sand.u32 $0x4000, s31;
	s1 =	sadd.s32 s1, s30  }
0xc9: {  	s0 =	sor.u32 s4, s0;
	s1 =	sshll.u32 s1, $0x11  }
0xca: {  	s0 =	sor.u32 s1, s0  }
0xcb: {  	s0 =	sadd.s32 $0x8F2B, s0  }
0xcc: {  	[sflag:s0] =	ssyncadd.remote.s32 $0x1  }
0xcd: {  	_ =	sfence.sel $0xFFFF  }
0xce: {  	[dreg:$0x0] =	wrdreg $0xFFFFFFFF;
	(pc) =	sbr.abs _section_cstart, $3  }
0xcf: {  	[dreg:$0x1] =	wrdreg $0xFFFFFFFF  }
0xd0: {  	_ =	task.clear_ibuf [dreg:s22], $0x2FFFF;
	_ =	strace $0x9FFFFFFF  }
0xd1: {  	(tm) =	ssettm $0x7FFFFFFF  }
tec
execute0_lowered:
.L_overlay_start_1:
0x0: {  	(tag) =	ssettag $0x1  }
0x1: {  	s0 =	rddreg [dreg:$0x0]  }
0x2: {  	s1 =	rddreg [dreg:$0x1]  }
0x3: {  	s2 =	srdreg.scid;
	s5 =	simm.s32 $0x0;
	s6 =	stileid.u32  }
0x4: {  	s8 =	simm.s32 $0x2;
	s9 =	simm.s32 $0x5400;
	s10 =	simm.s32 $0x80  }
0x5: {  	s11 =	simm.s32 $0x1400;
	s14 =	simm.s32 $0x1;
	s12 =	simm.s32 $0xB00  }
0x6: {  	s13 =	simm.s32 $0xB80;
	s15 =	simm.s32 $0xC00;
	s16 =	simm.s32 $0xC80  }
0x7: {  	s17 =	simm.s32 $0xD00;
	s18 =	simm.s32 $0xD80;
	s19 =	simm.s32 $0xE00  }
0x8: {  	s20 =	simm.s32 $0xE80;
	s21 =	simm.s32 $0xF00;
	s22 =	simm.s32 $0xF80  }
0x9: {  	s23 =	simm.s32 $0x1080;
	s28 =	simm.s32 $0x1280;
	s29 =	simm.s32 $0x1300  }
0xa: {  	s30 =	simm.s32 $0x1380;
	s31 =	simm.s32 $0x0;
	s24 =	smul.u32 $0x14000, s6  }
0xb: {  	s2 =	sand.u32 $0x1, s2;
	[smem:$0x7FF] =	sst s5;
	s25 =	smul.u32 $0x50000, s6  }
0xc: {  	s3 =	sshll.u32 s2, $0x4;
	s4 =	smul.u32 $0x140000, s2;
	s2 =	ssub.s32 $0x2, s2  }
0xd: {  	_ =	strace $0x8000004A;
	s3 =	sor.u32 s6, s3;
	s26 =	sshrl.u32 s2, $0x1  }
0xe: {  	s5 =	sshrl.u32 s25, $0x2;
	s25 =	simm.s32 $0x1180;
	s3 =	smul.u32 $0x280, s3  }
0xf: {  	s4 =	sadd.s32 s24, s4;
	s2 =	ssub.s32 s2, s26;
	s5 =	sadd.s32 s5, s1  }
0x10: {  	s24 =	simm.s32 $0x1100;
	s26 =	simm.s32 $0x1200;
	s4 =	sshrl.u32 s4, $0x3  }
0x11: {  	s7 =	smax.u32 s2, $0x1;
	s3 =	sadd.s32 s3, s0;
	s0 =	sadd.s32 s4, s0  }
0x12: {  	v0 =	vimm.f32 $0.0e+00;
	v1 =	vimm.f32 $1.000000000e+00;
	s2 =	simm.s32 $0x1000;
	s4 =	sadd.s32 $0x6C00, s3;
	s6 =	sadd.s32 $0x5BC00, s0  }
.LBB2_1:
0x13: {  	s0 =	simm.s32 $0x0;
	s3 =	simm.s32 $0x200  }
.LBB2_2:
0x14: {  	p0 =	sne.s32 s3, $0x1E00;
	[tilespmem:s0+$0x5470] =	vst v0  }
0x15: {  	[tilespmem:s0+$0x5400] =	vst v0  }
0x16: {  	[tilespmem:s0+$0x5410] =	vst v0  }
.Ltmp0:
0x17: {  	[tilespmem:s0+$0x5420] =	vst v0;
	(pc) =	sbr.rel @p0 .LBB2_2-.Ltmp0, $4  }
0x18: {  	[tilespmem:s0+$0x5430] =	vst v0  }
0x19: {  	[tilespmem:s0+$0x5440] =	vst v0  }
0x1a: {  	[tilespmem:s0+$0x5450] =	vst v0  }
0x1b: {  	[tilespmem:s0+$0x5460] =	vst v0;
	s0 =	sshra.s32 s3, $0x2;
	s3 =	sadd.s32 $0x200, s3  }
0x1c: {  	[tilespmem:s0+$0x5470] =	vst v0  }
0x1d: {  	[tilespmem:s0+$0x5400] =	vst v0  }
0x1e: {  	[tilespmem:s0+$0x5410] =	vst v0  }
0x1f: {  	[tilespmem:s0+$0x5420] =	vst v0  }
0x20: {  	[tilespmem:s0+$0x5430] =	vst v0  }
0x21: {  	[tilespmem:s0+$0x5440] =	vst v0  }
0x22: {  	[tilespmem:s0+$0x5450] =	vst v0  }
0x23: {  	[tilespmem:s0+$0x5460] =	vst v0;
	s0 =	simm.s32 $0x0;
	s3 =	simm.s32 $0x200  }
.LBB2_4:
0x24: {  	p0 =	sne.s32 s3, $0xFE00;
	[tilespmem:s0+$0x1470] =	vst v1  }
0x25: {  	[tilespmem:s0+$0x1400] =	vst v1  }
0x26: {  	[tilespmem:s0+$0x1410] =	vst v1  }
.Ltmp1:
0x27: {  	[tilespmem:s0+$0x1420] =	vst v1;
	(pc) =	sbr.rel @p0 .LBB2_4-.Ltmp1, $4  }
0x28: {  	[tilespmem:s0+$0x1430] =	vst v1  }
0x29: {  	[tilespmem:s0+$0x1440] =	vst v1  }
0x2a: {  	[tilespmem:s0+$0x1450] =	vst v1  }
0x2b: {  	[tilespmem:s0+$0x1460] =	vst v1;
	s0 =	sshra.s32 s3, $0x2;
	s3 =	sadd.s32 $0x200, s3  }
0x2c: {  	[tilespmem:s0+$0x1470] =	vst v1  }
0x2d: {  	[tilespmem:s0+$0x1400] =	vst v1  }
0x2e: {  	[tilespmem:s0+$0x1410] =	vst v1  }
0x2f: {  	[tilespmem:s0+$0x1420] =	vst v1  }
0x30: {  	[tilespmem:s0+$0x1430] =	vst v1  }
0x31: {  	[tilespmem:s0+$0x1440] =	vst v1  }
0x32: {  	[tilespmem:s0+$0x1450] =	vst v1  }
0x33: {  	[tilespmem:s0+$0x1460] =	vst v1;
	s3 =	simm.s32 $0x0  }
0x34: {  	[tilespmem:s3], [sflag:$0x2] =	stream.linear.gather [hbm4b:s4+s3], $0x1400, $0x38;
	[tilespmem:$0x19C00] =	vst v63  }
0x35: {  	_ =	swait.ge [sflag:s8], $0x1400  }
0x36: {  	[sflag:s8] =	ssyncset.done $0x0  }
0x37: {  	s3 =	sadd.s32 $0x0, s5;
	[sflag:s8] =	ssyncadd.s32 $0xFFFFEC00  }
0x38: {  	[spmem:s3] =	stream.linear.scatter [tilespmem:s9], [sflag:$0x2], $0x800, $0x38;
	[tilespmem:$0x19C00] =	vst v63  }
0x39: {  	s0 =	simm.s32 $0x2000;
	_ =	swait.ge [sflag:s8], $0x800  }
.LBB2_6:
0x3a: {  	s3 =	sshra.s32 s0, $0x2;
	[sflag:s8] =	ssyncset.done $0x0;
	p0 =	sne.s32 s0, $0x4E000  }
.Ltmp2:
0x3b: {  	s3 =	sadd.s32 s3, s5;
	[sflag:s8] =	ssyncadd.s32 $0xFFFFF800;
	(pc) =	sbr.rel @p0 .LBB2_6-.Ltmp2, $3  }
0x3c: {  	[spmem:s3] =	stream.linear.scatter [tilespmem:s9], [sflag:$0x2], $0x800, $0x38;
	[tilespmem:$0x19C00] =	vst v63  }
0x3d: {  	s0 =	sadd.s32 $0x2000, s0;
	_ =	sdelay $0x1  }
0x3e: {  	_ =	swait.ge [sflag:s8], $0x800  }
0x3f: {  	[sflag:s8] =	ssyncset.done $0x0  }
0x40: {  	[sflag:s8] =	ssyncadd.s32 $0xFFFFF800  }
0x41: {  	s0 =	simm.s32 $0x0;
	[bflag:$0x0] =	sbarrier.arrive $0xFFFF  }
0x42: {  	[spmem:s1] =	stream.indirect.scatter.add.f32 [tilespmem:s11], [sflag:$0x1], $0x80, s0, s10, $0xb8;
	[tilespmem:$0x19C00] =	vst v63  }
0x43: {  	_ = 	snop  }
0x44: {  	[spmem:s1] =	stream.indirect.scatter.add.f32 [tilespmem:s11], [sflag:$0x1], $0x80, s10, s10, $0xb8;
	[tilespmem:$0x19C00] =	vst v63  }
0x45: {  	s3 =	simm.s32 $0x100  }
0x46: {  	[spmem:s1] =	stream.indirect.scatter.add.f32 [tilespmem:s11], [sflag:$0x1], $0x80, s3, s10, $0xb8;
	[tilespmem:$0x19C00] =	vst v63  }
0x47: {  	s3 =	simm.s32 $0x180  }
0x48: {  	[spmem:s1] =	stream.indirect.scatter.add.f32 [tilespmem:s11], [sflag:$0x1], $0x80, s3, s10, $0xb8;
	[tilespmem:$0x19C00] =	vst v63  }
0x49: {  	_ =	swait.ge [sflag:s14], $0x4000  }
0x4a: {  	[sflag:s14] =	ssyncset.done $0x0  }
0x4b: {  	[sflag:s14] =	ssyncadd.s32 $0xFFFFC000  }
0x4c: {  	_ =	swait.ge [sflag:s14], $0x4000  }
0x4d: {  	[sflag:s14] =	ssyncset.done $0x0  }
0x4e: {  	[sflag:s14] =	ssyncadd.s32 $0xFFFFC000  }
0x4f: {  	_ =	swait.ge [sflag:s14], $0x4000  }
0x50: {  	[sflag:s14] =	ssyncset.done $0x0  }
0x51: {  	[sflag:s14] =	ssyncadd.s32 $0xFFFFC000  }
0x52: {  	_ =	swait.ge [sflag:s14], $0x4000  }
0x53: {  	[sflag:s14] =	ssyncset.done $0x0  }
0x54: {  	s3 =	simm.s32 $0x200;
	[sflag:s14] =	ssyncadd.s32 $0xFFFFC000  }
0x55: {  	[spmem:s1] =	stream.indirect.scatter.add.f32 [tilespmem:s11], [sflag:$0x1], $0x80, s3, s10, $0xb8;
	[tilespmem:$0x19C00] =	vst v63  }
0x56: {  	s3 =	simm.s32 $0x280  }
0x57: {  	[spmem:s1] =	stream.indirect.scatter.add.f32 [tilespmem:s11], [sflag:$0x1], $0x80, s3, s10, $0xb8;
	[tilespmem:$0x19C00] =	vst v63  }
0x58: {  	s3 =	simm.s32 $0x300  }
0x59: {  	[spmem:s1] =	stream.indirect.scatter.add.f32 [tilespmem:s11], [sflag:$0x1], $0x80, s3, s10, $0xb8;
	[tilespmem:$0x19C00] =	vst v63  }
0x5a: {  	s3 =	simm.s32 $0x380  }
0x5b: {  	[spmem:s1] =	stream.indirect.scatter.add.f32 [tilespmem:s11], [sflag:$0x1], $0x80, s3, s10, $0xb8;
	[tilespmem:$0x19C00] =	vst v63  }
0x5c: {  	_ =	swait.ge [sflag:s14], $0x4000  }
0x5d: {  	[sflag:s14] =	ssyncset.done $0x0  }
0x5e: {  	[sflag:s14] =	ssyncadd.s32 $0xFFFFC000  }
0x5f: {  	_ =	swait.ge [sflag:s14], $0x4000  }
0x60: {  	[sflag:s14] =	ssyncset.done $0x0  }
0x61: {  	[sflag:s14] =	ssyncadd.s32 $0xFFFFC000  }
0x62: {  	_ =	swait.ge [sflag:s14], $0x4000  }
0x63: {  	[sflag:s14] =	ssyncset.done $0x0  }
0x64: {  	[sflag:s14] =	ssyncadd.s32 $0xFFFFC000  }
0x65: {  	_ =	swait.ge [sflag:s14], $0x4000  }
0x66: {  	[sflag:s14] =	ssyncset.done $0x0  }
0x67: {  	s3 =	simm.s32 $0x400;
	[sflag:s14] =	ssyncadd.s32 $0xFFFFC000  }
0x68: {  	[spmem:s1] =	stream.indirect.scatter.add.f32 [tilespmem:s11], [sflag:$0x1], $0x80, s3, s10, $0xb8;
	[tilespmem:$0x19C00] =	vst v63  }
0x69: {  	s3 =	simm.s32 $0x480  }
0x6a: {  	[spmem:s1] =	stream.indirect.scatter.add.f32 [tilespmem:s11], [sflag:$0x1], $0x80, s3, s10, $0xb8;
	[tilespmem:$0x19C00] =	vst v63  }
0x6b: {  	s3 =	simm.s32 $0x500  }
0x6c: {  	[spmem:s1] =	stream.indirect.scatter.add.f32 [tilespmem:s11], [sflag:$0x1], $0x80, s3, s10, $0xb8;
	[tilespmem:$0x19C00] =	vst v63  }
0x6d: {  	s3 =	simm.s32 $0x580  }
0x6e: {  	[spmem:s1] =	stream.indirect.scatter.add.f32 [tilespmem:s11], [sflag:$0x1], $0x80, s3, s10, $0xb8;
	[tilespmem:$0x19C00] =	vst v63  }
0x6f: {  	_ =	swait.ge [sflag:s14], $0x4000  }
0x70: {  	[sflag:s14] =	ssyncset.done $0x0  }
0x71: {  	[sflag:s14] =	ssyncadd.s32 $0xFFFFC000  }
0x72: {  	_ =	swait.ge [sflag:s14], $0x4000  }
0x73: {  	[sflag:s14] =	ssyncset.done $0x0  }
0x74: {  	[sflag:s14] =	ssyncadd.s32 $0xFFFFC000  }
0x75: {  	_ =	swait.ge [sflag:s14], $0x4000  }
0x76: {  	[sflag:s14] =	ssyncset.done $0x0  }
0x77: {  	[sflag:s14] =	ssyncadd.s32 $0xFFFFC000  }
0x78: {  	_ =	swait.ge [sflag:s14], $0x4000  }
0x79: {  	[sflag:s14] =	ssyncset.done $0x0  }
0x7a: {  	s3 =	simm.s32 $0x600;
	[sflag:s14] =	ssyncadd.s32 $0xFFFFC000  }
0x7b: {  	[spmem:s1] =	stream.indirect.scatter.add.f32 [tilespmem:s11], [sflag:$0x1], $0x80, s3, s10, $0xb8;
	[tilespmem:$0x19C00] =	vst v63  }
0x7c: {  	s3 =	simm.s32 $0x680  }
0x7d: {  	[spmem:s1] =	stream.indirect.scatter.add.f32 [tilespmem:s11], [sflag:$0x1], $0x80, s3, s10, $0xb8;
	[tilespmem:$0x19C00] =	vst v63  }
0x7e: {  	s3 =	simm.s32 $0x700  }
0x7f: {  	[spmem:s1] =	stream.indirect.scatter.add.f32 [tilespmem:s11], [sflag:$0x1], $0x80, s3, s10, $0xb8;
	[tilespmem:$0x19C00] =	vst v63  }
0x80: {  	s3 =	simm.s32 $0x780  }
0x81: {  	[spmem:s1] =	stream.indirect.scatter.add.f32 [tilespmem:s11], [sflag:$0x1], $0x80, s3, s10, $0xb8;
	[tilespmem:$0x19C00] =	vst v63  }
0x82: {  	_ =	swait.ge [sflag:s14], $0x4000  }
0x83: {  	[sflag:s14] =	ssyncset.done $0x0  }
0x84: {  	[sflag:s14] =	ssyncadd.s32 $0xFFFFC000  }
0x85: {  	_ =	swait.ge [sflag:s14], $0x4000  }
0x86: {  	[sflag:s14] =	ssyncset.done $0x0  }
0x87: {  	[sflag:s14] =	ssyncadd.s32 $0xFFFFC000  }
0x88: {  	_ =	swait.ge [sflag:s14], $0x4000  }
0x89: {  	[sflag:s14] =	ssyncset.done $0x0  }
0x8a: {  	[sflag:s14] =	ssyncadd.s32 $0xFFFFC000  }
0x8b: {  	_ =	swait.ge [sflag:s14], $0x4000  }
0x8c: {  	[sflag:s14] =	ssyncset.done $0x0  }
0x8d: {  	s3 =	simm.s32 $0x800;
	[sflag:s14] =	ssyncadd.s32 $0xFFFFC000  }
0x8e: {  	[spmem:s1] =	stream.indirect.scatter.add.f32 [tilespmem:s11], [sflag:$0x1], $0x80, s3, s10, $0xb8;
	[tilespmem:$0x19C00] =	vst v63  }
0x8f: {  	s3 =	simm.s32 $0x880  }
0x90: {  	[spmem:s1] =	stream.indirect.scatter.add.f32 [tilespmem:s11], [sflag:$0x1], $0x80, s3, s10, $0xb8;
	[tilespmem:$0x19C00] =	vst v63  }
0x91: {  	s3 =	simm.s32 $0x900  }
0x92: {  	[spmem:s1] =	stream.indirect.scatter.add.f32 [tilespmem:s11], [sflag:$0x1], $0x80, s3, s10, $0xb8;
	[tilespmem:$0x19C00] =	vst v63  }
0x93: {  	s3 =	simm.s32 $0x980  }
0x94: {  	[spmem:s1] =	stream.indirect.scatter.add.f32 [tilespmem:s11], [sflag:$0x1], $0x80, s3, s10, $0xb8;
	[tilespmem:$0x19C00] =	vst v63  }
0x95: {  	_ =	swait.ge [sflag:s14], $0x4000  }
0x96: {  	[sflag:s14] =	ssyncset.done $0x0  }
0x97: {  	[sflag:s14] =	ssyncadd.s32 $0xFFFFC000  }
0x98: {  	_ =	swait.ge [sflag:s14], $0x4000  }
0x99: {  	[sflag:s14] =	ssyncset.done $0x0  }
0x9a: {  	[sflag:s14] =	ssyncadd.s32 $0xFFFFC000  }
0x9b: {  	_ =	swait.ge [sflag:s14], $0x4000  }
0x9c: {  	[sflag:s14] =	ssyncset.done $0x0  }
0x9d: {  	[sflag:s14] =	ssyncadd.s32 $0xFFFFC000  }
0x9e: {  	_ =	swait.ge [sflag:s14], $0x4000  }
0x9f: {  	[sflag:s14] =	ssyncset.done $0x0  }
0xa0: {  	s3 =	simm.s32 $0xA00;
	[sflag:s14] =	ssyncadd.s32 $0xFFFFC000  }
0xa1: {  	[spmem:s1] =	stream.indirect.scatter.add.f32 [tilespmem:s11], [sflag:$0x1], $0x80, s3, s10, $0xb8;
	[tilespmem:$0x19C00] =	vst v63  }
0xa2: {  	s3 =	simm.s32 $0xA80  }
0xa3: {  	[spmem:s1] =	stream.indirect.scatter.add.f32 [tilespmem:s11], [sflag:$0x1], $0x80, s3, s10, $0xb8;
	[tilespmem:$0x19C00] =	vst v63  }
0xa4: {  	_ = 	snop  }
0xa5: {  	[spmem:s1] =	stream.indirect.scatter.add.f32 [tilespmem:s11], [sflag:$0x1], $0x80, s12, s10, $0xb8;
	[tilespmem:$0x19C00] =	vst v63  }
0xa6: {  	_ = 	snop  }
0xa7: {  	[spmem:s1] =	stream.indirect.scatter.add.f32 [tilespmem:s11], [sflag:$0x1], $0x80, s13, s10, $0xb8;
	[tilespmem:$0x19C00] =	vst v63  }
0xa8: {  	_ =	swait.ge [sflag:s14], $0x4000  }
0xa9: {  	[sflag:s14] =	ssyncset.done $0x0  }
0xaa: {  	[sflag:s14] =	ssyncadd.s32 $0xFFFFC000  }
0xab: {  	_ =	swait.ge [sflag:s14], $0x4000  }
0xac: {  	[sflag:s14] =	ssyncset.done $0x0  }
0xad: {  	[sflag:s14] =	ssyncadd.s32 $0xFFFFC000  }
0xae: {  	_ =	swait.ge [sflag:s14], $0x4000  }
0xaf: {  	[sflag:s14] =	ssyncset.done $0x0  }
0xb0: {  	[sflag:s14] =	ssyncadd.s32 $0xFFFFC000  }
0xb1: {  	_ =	swait.ge [sflag:s14], $0x4000  }
0xb2: {  	[sflag:s14] =	ssyncset.done $0x0  }
0xb3: {  	[sflag:s14] =	ssyncadd.s32 $0xFFFFC000  }
0xb4: {  	[spmem:s1] =	stream.indirect.scatter.add.f32 [tilespmem:s11], [sflag:$0x1], $0x80, s15, s10, $0xb8;
	[tilespmem:$0x19C00] =	vst v63  }
0xb5: {  	_ = 	snop  }
0xb6: {  	[spmem:s1] =	stream.indirect.scatter.add.f32 [tilespmem:s11], [sflag:$0x1], $0x80, s16, s10, $0xb8;
	[tilespmem:$0x19C00] =	vst v63  }
0xb7: {  	_ = 	snop  }
0xb8: {  	[spmem:s1] =	stream.indirect.scatter.add.f32 [tilespmem:s11], [sflag:$0x1], $0x80, s17, s10, $0xb8;
	[tilespmem:$0x19C00] =	vst v63  }
0xb9: {  	_ = 	snop  }
0xba: {  	[spmem:s1] =	stream.indirect.scatter.add.f32 [tilespmem:s11], [sflag:$0x1], $0x80, s18, s10, $0xb8;
	[tilespmem:$0x19C00] =	vst v63  }
0xbb: {  	_ =	swait.ge [sflag:s14], $0x4000  }
0xbc: {  	[sflag:s14] =	ssyncset.done $0x0  }
0xbd: {  	[sflag:s14] =	ssyncadd.s32 $0xFFFFC000  }
0xbe: {  	_ =	swait.ge [sflag:s14], $0x4000  }
0xbf: {  	[sflag:s14] =	ssyncset.done $0x0  }
0xc0: {  	[sflag:s14] =	ssyncadd.s32 $0xFFFFC000  }
0xc1: {  	_ =	swait.ge [sflag:s14], $0x4000  }
0xc2: {  	[sflag:s14] =	ssyncset.done $0x0  }
0xc3: {  	[sflag:s14] =	ssyncadd.s32 $0xFFFFC000  }
0xc4: {  	_ =	swait.ge [sflag:s14], $0x4000  }
0xc5: {  	[sflag:s14] =	ssyncset.done $0x0  }
0xc6: {  	[sflag:s14] =	ssyncadd.s32 $0xFFFFC000  }
0xc7: {  	[spmem:s1] =	stream.indirect.scatter.add.f32 [tilespmem:s11], [sflag:$0x1], $0x80, s19, s10, $0xb8;
	[tilespmem:$0x19C00] =	vst v63  }
0xc8: {  	_ = 	snop  }
0xc9: {  	[spmem:s1] =	stream.indirect.scatter.add.f32 [tilespmem:s11], [sflag:$0x1], $0x80, s20, s10, $0xb8;
	[tilespmem:$0x19C00] =	vst v63  }
0xca: {  	_ = 	snop  }
0xcb: {  	[spmem:s1] =	stream.indirect.scatter.add.f32 [tilespmem:s11], [sflag:$0x1], $0x80, s21, s10, $0xb8;
	[tilespmem:$0x19C00] =	vst v63  }
0xcc: {  	_ = 	snop  }
0xcd: {  	[spmem:s1] =	stream.indirect.scatter.add.f32 [tilespmem:s11], [sflag:$0x1], $0x80, s22, s10, $0xb8;
	[tilespmem:$0x19C00] =	vst v63  }
0xce: {  	_ =	swait.ge [sflag:s14], $0x4000  }
0xcf: {  	[sflag:s14] =	ssyncset.done $0x0  }
0xd0: {  	[sflag:s14] =	ssyncadd.s32 $0xFFFFC000  }
0xd1: {  	_ =	swait.ge [sflag:s14], $0x4000  }
0xd2: {  	[sflag:s14] =	ssyncset.done $0x0  }
0xd3: {  	[sflag:s14] =	ssyncadd.s32 $0xFFFFC000  }
0xd4: {  	_ =	swait.ge [sflag:s14], $0x4000  }
0xd5: {  	[sflag:s14] =	ssyncset.done $0x0  }
0xd6: {  	[sflag:s14] =	ssyncadd.s32 $0xFFFFC000  }
0xd7: {  	_ =	swait.ge [sflag:s14], $0x4000  }
0xd8: {  	[sflag:s14] =	ssyncset.done $0x0  }
0xd9: {  	[sflag:s14] =	ssyncadd.s32 $0xFFFFC000  }
0xda: {  	[spmem:s1] =	stream.indirect.scatter.add.f32 [tilespmem:s11], [sflag:$0x1], $0x80, s2, s10, $0xb8;
	[tilespmem:$0x19C00] =	vst v63  }
0xdb: {  	_ = 	snop  }
0xdc: {  	[spmem:s1] =	stream.indirect.scatter.add.f32 [tilespmem:s11], [sflag:$0x1], $0x80, s23, s10, $0xb8;
	[tilespmem:$0x19C00] =	vst v63  }
0xdd: {  	_ = 	snop  }
0xde: {  	[spmem:s1] =	stream.indirect.scatter.add.f32 [tilespmem:s11], [sflag:$0x1], $0x80, s24, s10, $0xb8;
	[tilespmem:$0x19C00] =	vst v63  }
0xdf: {  	_ = 	snop  }
0xe0: {  	[spmem:s1] =	stream.indirect.scatter.add.f32 [tilespmem:s11], [sflag:$0x1], $0x80, s25, s10, $0xb8;
	[tilespmem:$0x19C00] =	vst v63  }
0xe1: {  	_ =	swait.ge [sflag:s14], $0x4000  }
0xe2: {  	[sflag:s14] =	ssyncset.done $0x0  }
0xe3: {  	[sflag:s14] =	ssyncadd.s32 $0xFFFFC000  }
0xe4: {  	_ =	swait.ge [sflag:s14], $0x4000  }
0xe5: {  	[sflag:s14] =	ssyncset.done $0x0  }
0xe6: {  	[sflag:s14] =	ssyncadd.s32 $0xFFFFC000  }
0xe7: {  	_ =	swait.ge [sflag:s14], $0x4000  }
0xe8: {  	[sflag:s14] =	ssyncset.done $0x0  }
0xe9: {  	[sflag:s14] =	ssyncadd.s32 $0xFFFFC000  }
0xea: {  	_ =	swait.ge [sflag:s14], $0x4000  }
0xeb: {  	[sflag:s14] =	ssyncset.done $0x0  }
0xec: {  	[sflag:s14] =	ssyncadd.s32 $0xFFFFC000  }
0xed: {  	[spmem:s1] =	stream.indirect.scatter.add.f32 [tilespmem:s11], [sflag:$0x1], $0x80, s26, s10, $0xb8;
	[tilespmem:$0x19C00] =	vst v63  }
0xee: {  	_ = 	snop  }
0xef: {  	[spmem:s1] =	stream.indirect.scatter.add.f32 [tilespmem:s11], [sflag:$0x1], $0x80, s28, s10, $0xb8;
	[tilespmem:$0x19C00] =	vst v63  }
0xf0: {  	_ = 	snop  }
0xf1: {  	[spmem:s1] =	stream.indirect.scatter.add.f32 [tilespmem:s11], [sflag:$0x1], $0x80, s29, s10, $0xb8;
	[tilespmem:$0x19C00] =	vst v63  }
0xf2: {  	_ = 	snop  }
0xf3: {  	[spmem:s1] =	stream.indirect.scatter.add.f32 [tilespmem:s11], [sflag:$0x1], $0x80, s30, s10, $0xb8;
	[tilespmem:$0x19C00] =	vst v63  }
0xf4: {  	_ =	swait.ge [sflag:s14], $0x4000  }
0xf5: {  	[sflag:s14] =	ssyncset.done $0x0  }
0xf6: {  	[sflag:s14] =	ssyncadd.s32 $0xFFFFC000  }
0xf7: {  	_ =	swait.ge [sflag:s14], $0x4000  }
0xf8: {  	[sflag:s14] =	ssyncset.done $0x0  }
0xf9: {  	[sflag:s14] =	ssyncadd.s32 $0xFFFFC000  }
0xfa: {  	_ =	swait.ge [sflag:s14], $0x4000  }
0xfb: {  	[sflag:s14] =	ssyncset.done $0x0  }
0xfc: {  	[sflag:s14] =	ssyncadd.s32 $0xFFFFC000  }
0xfd: {  	s31 =	sadd.s32 $0x1, s31;
	_ =	swait.ge [sflag:s14], $0x4000  }
0xfe: {  	p0 =	sne.s32 s31, s7;
	s3 =	stileid.u32;
	[sflag:s14] =	ssyncset.done $0x0  }
0xff: {  	s0 =	sshll.u32 s3, $0x6;
	s3 =	sshrl.u32 s5, $0x3;
	[sflag:s14] =	ssyncadd.s32 $0xFFFFC000  }
.Ltmp3:
0x100: {  	s0 =	sor.u32 $0x1C02, s0;
	[bflag:$0x0] =	sbarrier.arrive $0xFFFF;
	(pc) =	sbr.rel @p0 .LBB2_1-.Ltmp3, $4  }
0x101: {  	[hbm:s6], [sflag:s0] =	dma.local [spmem:s3], $0x2800  }
0x102: {  	_ =	swait.ge [sflag:s8], $0x2800  }
0x103: {  	[sflag:s8] =	ssyncset.done $0x0  }
0x104: {  	[sflag:s8] =	ssyncadd.s32 $0xFFFFD800  }
0x105: {  	_ =	sfence.sel $0x180000  }
0x106: {  	[bflag:$0x0] =	sbarrier.arrive $0xFFFF  }
0x107: {  	_ =	strace $0x9000004A  }
0x108: {  	s0 =	stileid.u32;
	[bflag:$0x2] =	sbarrier.arrive $0xFFFF  }
0x109: {  	p0 =	sne.s32 s0, $0x0;
	s0 =	rddreg [dreg:$0x2]  }
0x10a: {  	s0 =	sadd.s32 @!p0 $0x100000, s0  }
0x10b: {  	[sflag:s0] =	ssyncadd.tile.s32 @!p0 $0x1;
	_ =	shalt  }
.Lfunc_end2:
_tile_overlayer_lowered:
.L_overlay_start_2:
0x10c: {  	(tag) =	ssettag $0x2  }
0x10d: {  	s0 =	rddreg [dreg:$0x0];
	s2 =	stileid.u32  }
0x10e: {  	s1 =	rddreg [dreg:$0x1];
	p0 =	sne.s32 s2, $0x0  }
0x10f: {  	s3 =	rddreg [dreg:$0x2];
	[bflag:$0x3] =	sbarrier.arrive $0xFFFF;
	s2 =	simm.s32 @!p0 $0x1C02  }
0x110: {  	[timem:s3], [sflag:s2] =	dma.local @!p0 [hbm:s0], s1  }
0x111: {  	s0 =	simm.s32 @!p0 $0x2  }
0x112: {  	_ =	swait.ge @!p0 [sflag:s0], s1  }
0x113: {  	s1 =	ssub.s32 @!p0 $0x0, s1;
	[sflag:s0] =	ssyncset.done @!p0 $0x0  }
0x114: {  	[sflag:s0] =	ssyncadd.s32 @!p0 s1  }
0x115: {  	[bflag:$0x3] =	sbarrier.arrive $0xFFFF  }
0x116: {  	_ =	shalt  }

</sc_bundles>
